<compile_context>
chip_gen: v7x
topology: tpu7x:2x2x1
jax: 0.10.2.dev20260603
libtpu: 0.0.44.dev20260713+nightly
codegen_flags: <defaults>
</compile_context>

<pallas_src>
import functools

import jax
import jax.numpy as jnp
from jax import lax
from jax.experimental import pallas as pl
from jax.experimental.pallas import tpu as pltpu
from jax.experimental.pallas import tpu_sc as plsc

N_VOCAB = 100000
N_CTX = 2048
N_EMBED = 128
BATCH = 4

NC = 2
NS = 16
NW = NC * NS
PPW = N_CTX // NW
LANES = 16


def _sc_embed(x_hbm, wte_hbm, wpe_hbm, out_hbm, idx_v, wv, rows_v, sem_i, sem_p, sem_g, sem_s):
    wid = lax.axis_index("c") * NS + lax.axis_index("s")
    p0 = wid * PPW

    cp_i = [
        pltpu.async_copy(x_hbm.at[b, pl.ds(p0, PPW)], idx_v.at[b], sem_i)
        for b in range(BATCH)
    ]
    cp_w = pltpu.async_copy(wpe_hbm.at[pl.ds(p0, PPW)], wv, sem_p)

    cp_g = []
    for b in range(BATCH):
        cp_i[b].wait()
        cp_g.append(
            pltpu.async_copy(
                wte_hbm.at[idx_v.at[b]],
                rows_v.at[pl.ds(b * PPW, PPW)],
                sem_g,
            )
        )
    cp_w.wait()

    def add_tile(b):
        @pl.loop(0, PPW)
        def _(r):
            for c in range(N_EMBED // LANES):
                sl = pl.ds(c * LANES, LANES)
                plsc.addupdate(rows_v.at[b * PPW + r, sl], wv[r, sl])

    cp_s = []
    for b in range(BATCH):
        cp_g[b].wait()
        add_tile(b)
        cp_s.append(
            pltpu.async_copy(
                rows_v.at[pl.ds(b * PPW, PPW)],
                out_hbm.at[b, pl.ds(p0, PPW)],
                sem_s,
            )
        )
    for cp in cp_s:
        cp.wait()


@jax.jit
def _embed(x, wte, wpe):
    mesh = plsc.VectorSubcoreMesh(core_axis_name="c", subcore_axis_name="s")
    run = functools.partial(
        pl.kernel,
        out_type=jax.ShapeDtypeStruct((BATCH, N_CTX, N_EMBED), jnp.float32),
        mesh=mesh,
        scratch_types=[
            pltpu.VMEM((BATCH, PPW), jnp.int32),
            pltpu.VMEM((PPW, N_EMBED), jnp.float32),
            pltpu.VMEM((BATCH * PPW, N_EMBED), jnp.float32),
            pltpu.SemaphoreType.DMA,
            pltpu.SemaphoreType.DMA,
            pltpu.SemaphoreType.DMA,
            pltpu.SemaphoreType.DMA,
        ],
    )(_sc_embed)
    return run(x, wte, wpe)


def kernel(x, wte, wpe):
    return _embed(x.astype(jnp.int32), wte, wpe)

# --- scband reference (transcript-rebuilt; emitter-appended) ---
"""Pipeline reference for scband-model-44324062494951 (READ-ONLY COPY).

The authoritative reference and input builder live on the scoring server;
editing this copy changes nothing except your own understanding.
"""

import jax, jax.numpy as jnp
import numpy as np

N_VOCAB = 100000
N_CTX = 2048
N_EMBED = 128
BATCH = 4


def setup_inputs(seed: int = 0) -> dict:
    key = jax.random.key(seed)
    k1, k2, k3 = jax.random.split(key, 3)
    x = jax.random.randint(k1, (BATCH, N_CTX), 0, N_VOCAB)
    wte = jax.random.normal(k2, (N_VOCAB, N_EMBED), dtype=jnp.float32) * 0.02
    wpe = jax.random.normal(k3, (N_CTX, N_EMBED), dtype=jnp.float32) * 0.01
    return {"x": x, "wte": wte, "wpe": wpe}


def reference(x, wte, wpe):
    batch_size, n_steps = x.shape
    past_length = 0  # past is None
    # position_for(batch_size, n_steps, past_length)
    position = jnp.tile(jnp.arange(past_length, n_steps + past_length)[None, :], (batch_size, 1))
    h = jnp.take(wte, x, axis=0) + jnp.take(wpe, position, axis=0)
    assert h.shape == (batch_size, N_CTX, N_EMBED)
    return h

if __name__ == "__main__":
    import jax
    _d = setup_inputs()
    print(jax.jit(kernel)(*tuple(_d.values())))

</pallas_src>

<mosaic_0001>
#map = affine_map<(d0, d1) -> (0, 0)>
#map1 = affine_map<(d0, d1) -> (0, 0, 0)>
module attributes {stable_mosaic.version = 14 : i64} {
  func.func @_sc_embed(%arg0: i32, %arg1: i32, %arg2: memref<4x2048xi32, #tpu.memory_space<hbm>>, %arg3: memref<100000x128xf32, #tpu.memory_space<hbm>>, %arg4: memref<2048x128xf32, #tpu.memory_space<hbm>>, %arg5: memref<4x2048x128xf32, #tpu.memory_space<hbm>>, %arg6: memref<4x64xi32, #tpu.memory_space<vmem>>, %arg7: memref<64x128xf32, #tpu.memory_space<vmem>>, %arg8: memref<256x128xf32, #tpu.memory_space<vmem>>, %arg9: memref<!tpu.dma_semaphore, #tpu.memory_space<semaphore_mem>>, %arg10: memref<!tpu.dma_semaphore, #tpu.memory_space<semaphore_mem>>, %arg11: memref<!tpu.dma_semaphore, #tpu.memory_space<semaphore_mem>>, %arg12: memref<!tpu.dma_semaphore, #tpu.memory_space<semaphore_mem>>) attributes {dimension_semantics = [#tpu.dimension_semantics<core_parallel>, #tpu.dimension_semantics<subcore_parallel>], iteration_bounds = array<i64: 2, 16>, scalar_prefetch = 0 : i64, scratch_operands = 7 : i64, tpu.core_type = #tpu.core_type<sc_vector_subcore>, window_params = [{transform_indices = #map}, {transform_indices = #map}, {transform_indices = #map}, {transform_indices = #map1}]} {
    %mul3A = arith.constant 16 : i32
    %mul3A_0 = arith.muli %arg0, %mul3A : i32
    %add3A = arith.addi %mul3A_0, %arg1 : i32
    %mul3A_1 = arith.constant 64 : i32
    %mul3A_2 = arith.muli %add3A, %mul3A_1 : i32
    %dma_start3A = arith.constant 0 : i32
    %dma_start3A_3 = arith.constant 0 : i32
    %dma_start3A_4 = arith.constant 0 : i32
    %dma_start3A_5 = tpu.memref_slice %arg6[%dma_start3A_3, %dma_start3A_4] : memref<4x64xi32, #tpu.memory_space<vmem>> -> memref<1x64xi32, #tpu.memory_space<vmem>>
    %dma_start3A_6 = tpu.memref_squeeze %dma_start3A_5 : memref<1x64xi32, #tpu.memory_space<vmem>> -> memref<64xi32, #tpu.memory_space<vmem>>
    %dma_start3A_7 = tpu.memref_slice %arg2[%dma_start3A, %mul3A_2] : memref<4x2048xi32, #tpu.memory_space<hbm>> -> memref<1x64xi32, #tpu.memory_space<hbm>>
    %dma_start3A_8 = tpu.memref_squeeze %dma_start3A_7 : memref<1x64xi32, #tpu.memory_space<hbm>> -> memref<64xi32, #tpu.memory_space<hbm>>
    %dma_start3A_9 = arith.constant 0 : i32
    %dma_start3A_10 = tpu.memref_slice %arg6[%dma_start3A_3, %dma_start3A_9] : memref<4x64xi32, #tpu.memory_space<vmem>> -> memref<1x64xi32, #tpu.memory_space<vmem>>
    %dma_start3A_11 = tpu.memref_squeeze %dma_start3A_10 : memref<1x64xi32, #tpu.memory_space<vmem>> -> memref<64xi32, #tpu.memory_space<vmem>>
    %dma_start3A_12 = tpu.memref_slice %arg2[%dma_start3A, %mul3A_2] : memref<4x2048xi32, #tpu.memory_space<hbm>> -> memref<1x64xi32, #tpu.memory_space<hbm>>
    %dma_start3A_13 = tpu.memref_squeeze %dma_start3A_12 : memref<1x64xi32, #tpu.memory_space<hbm>> -> memref<64xi32, #tpu.memory_space<hbm>>
    tpu.enqueue_dma source(%dma_start3A_13 : memref<64xi32, #tpu.memory_space<hbm>>) target(%dma_start3A_11 : memref<64xi32, #tpu.memory_space<vmem>>) target_semaphore(%arg9 : memref<!tpu.dma_semaphore, #tpu.memory_space<semaphore_mem>>)
    %dma_start3A_14 = arith.constant 1 : i32
    %dma_start3A_15 = arith.constant 1 : i32
    %dma_start3A_16 = arith.constant 0 : i32
    %dma_start3A_17 = tpu.memref_slice %arg6[%dma_start3A_15, %dma_start3A_16] : memref<4x64xi32, #tpu.memory_space<vmem>> -> memref<1x64xi32, #tpu.memory_space<vmem>>
    %dma_start3A_18 = tpu.memref_squeeze %dma_start3A_17 : memref<1x64xi32, #tpu.memory_space<vmem>> -> memref<64xi32, #tpu.memory_space<vmem>>
    %dma_start3A_19 = tpu.memref_slice %arg2[%dma_start3A_14, %mul3A_2] : memref<4x2048xi32, #tpu.memory_space<hbm>> -> memref<1x64xi32, #tpu.memory_space<hbm>>
    %dma_start3A_20 = tpu.memref_squeeze %dma_start3A_19 : memref<1x64xi32, #tpu.memory_space<hbm>> -> memref<64xi32, #tpu.memory_space<hbm>>
    %dma_start3A_21 = arith.constant 0 : i32
    %dma_start3A_22 = tpu.memref_slice %arg6[%dma_start3A_15, %dma_start3A_21] : memref<4x64xi32, #tpu.memory_space<vmem>> -> memref<1x64xi32, #tpu.memory_space<vmem>>
    %dma_start3A_23 = tpu.memref_squeeze %dma_start3A_22 : memref<1x64xi32, #tpu.memory_space<vmem>> -> memref<64xi32, #tpu.memory_space<vmem>>
    %dma_start3A_24 = tpu.memref_slice %arg2[%dma_start3A_14, %mul3A_2] : memref<4x2048xi32, #tpu.memory_space<hbm>> -> memref<1x64xi32, #tpu.memory_space<hbm>>
    %dma_start3A_25 = tpu.memref_squeeze %dma_start3A_24 : memref<1x64xi32, #tpu.memory_space<hbm>> -> memref<64xi32, #tpu.memory_space<hbm>>
    tpu.enqueue_dma source(%dma_start3A_25 : memref<64xi32, #tpu.memory_space<hbm>>) target(%dma_start3A_23 : memref<64xi32, #tpu.memory_space<vmem>>) target_semaphore(%arg9 : memref<!tpu.dma_semaphore, #tpu.memory_space<semaphore_mem>>)
    %dma_start3A_26 = arith.constant 2 : i32
    %dma_start3A_27 = arith.constant 2 : i32
    %dma_start3A_28 = arith.constant 0 : i32
    %dma_start3A_29 = tpu.memref_slice %arg6[%dma_start3A_27, %dma_start3A_28] : memref<4x64xi32, #tpu.memory_space<vmem>> -> memref<1x64xi32, #tpu.memory_space<vmem>>
    %dma_start3A_30 = tpu.memref_squeeze %dma_start3A_29 : memref<1x64xi32, #tpu.memory_space<vmem>> -> memref<64xi32, #tpu.memory_space<vmem>>
    %dma_start3A_31 = tpu.memref_slice %arg2[%dma_start3A_26, %mul3A_2] : memref<4x2048xi32, #tpu.memory_space<hbm>> -> memref<1x64xi32, #tpu.memory_space<hbm>>
    %dma_start3A_32 = tpu.memref_squeeze %dma_start3A_31 : memref<1x64xi32, #tpu.memory_space<hbm>> -> memref<64xi32, #tpu.memory_space<hbm>>
    %dma_start3A_33 = arith.constant 0 : i32
    %dma_start3A_34 = tpu.memref_slice %arg6[%dma_start3A_27, %dma_start3A_33] : memref<4x64xi32, #tpu.memory_space<vmem>> -> memref<1x64xi32, #tpu.memory_space<vmem>>
    %dma_start3A_35 = tpu.memref_squeeze %dma_start3A_34 : memref<1x64xi32, #tpu.memory_space<vmem>> -> memref<64xi32, #tpu.memory_space<vmem>>
    %dma_start3A_36 = tpu.memref_slice %arg2[%dma_start3A_26, %mul3A_2] : memref<4x2048xi32, #tpu.memory_space<hbm>> -> memref<1x64xi32, #tpu.memory_space<hbm>>
    %dma_start3A_37 = tpu.memref_squeeze %dma_start3A_36 : memref<1x64xi32, #tpu.memory_space<hbm>> -> memref<64xi32, #tpu.memory_space<hbm>>
    tpu.enqueue_dma source(%dma_start3A_37 : memref<64xi32, #tpu.memory_space<hbm>>) target(%dma_start3A_35 : memref<64xi32, #tpu.memory_space<vmem>>) target_semaphore(%arg9 : memref<!tpu.dma_semaphore, #tpu.memory_space<semaphore_mem>>)
    %dma_start3A_38 = arith.constant 3 : i32
    %dma_start3A_39 = arith.constant 3 : i32
    %dma_start3A_40 = arith.constant 0 : i32
    %dma_start3A_41 = tpu.memref_slice %arg6[%dma_start3A_39, %dma_start3A_40] : memref<4x64xi32, #tpu.memory_space<vmem>> -> memref<1x64xi32, #tpu.memory_space<vmem>>
    %dma_start3A_42 = tpu.memref_squeeze %dma_start3A_41 : memref<1x64xi32, #tpu.memory_space<vmem>> -> memref<64xi32, #tpu.memory_space<vmem>>
    %dma_start3A_43 = tpu.memref_slice %arg2[%dma_start3A_38, %mul3A_2] : memref<4x2048xi32, #tpu.memory_space<hbm>> -> memref<1x64xi32, #tpu.memory_space<hbm>>
    %dma_start3A_44 = tpu.memref_squeeze %dma_start3A_43 : memref<1x64xi32, #tpu.memory_space<hbm>> -> memref<64xi32, #tpu.memory_space<hbm>>
    %dma_start3A_45 = arith.constant 0 : i32
    %dma_start3A_46 = tpu.memref_slice %arg6[%dma_start3A_39, %dma_start3A_45] : memref<4x64xi32, #tpu.memory_space<vmem>> -> memref<1x64xi32, #tpu.memory_space<vmem>>
    %dma_start3A_47 = tpu.memref_squeeze %dma_start3A_46 : memref<1x64xi32, #tpu.memory_space<vmem>> -> memref<64xi32, #tpu.memory_space<vmem>>
    %dma_start3A_48 = tpu.memref_slice %arg2[%dma_start3A_38, %mul3A_2] : memref<4x2048xi32, #tpu.memory_space<hbm>> -> memref<1x64xi32, #tpu.memory_space<hbm>>
    %dma_start3A_49 = tpu.memref_squeeze %dma_start3A_48 : memref<1x64xi32, #tpu.memory_space<hbm>> -> memref<64xi32, #tpu.memory_space<hbm>>
    tpu.enqueue_dma source(%dma_start3A_49 : memref<64xi32, #tpu.memory_space<hbm>>) target(%dma_start3A_47 : memref<64xi32, #tpu.memory_space<vmem>>) target_semaphore(%arg9 : memref<!tpu.dma_semaphore, #tpu.memory_space<semaphore_mem>>)
    %dma_start3A_50 = arith.constant 0 : i32
    %dma_start3A_51 = tpu.memref_slice %arg4[%mul3A_2, %dma_start3A_50] : memref<2048x128xf32, #tpu.memory_space<hbm>> -> memref<64x128xf32, #tpu.memory_space<hbm>>
    %dma_start3A_52 = arith.constant 0 : i32
    %dma_start3A_53 = tpu.memref_slice %arg4[%mul3A_2, %dma_start3A_52] : memref<2048x128xf32, #tpu.memory_space<hbm>> -> memref<64x128xf32, #tpu.memory_space<hbm>>
    tpu.enqueue_dma source(%dma_start3A_53 : memref<64x128xf32, #tpu.memory_space<hbm>>) target(%arg7 : memref<64x128xf32, #tpu.memory_space<vmem>>) target_semaphore(%arg10 : memref<!tpu.dma_semaphore, #tpu.memory_space<semaphore_mem>>)
    %dma_wait3A = arith.constant 0 : i32
    %dma_wait3A_54 = arith.constant 0 : i32
    %dma_wait3A_55 = arith.constant 0 : i32
    %dma_wait3A_56 = tpu.memref_slice %arg6[%dma_wait3A_54, %dma_wait3A_55] : memref<4x64xi32, #tpu.memory_space<vmem>> -> memref<1x64xi32, #tpu.memory_space<vmem>>
    %dma_wait3A_57 = tpu.memref_squeeze %dma_wait3A_56 : memref<1x64xi32, #tpu.memory_space<vmem>> -> memref<64xi32, #tpu.memory_space<vmem>>
    %dma_wait3A_58 = tpu.memref_slice %arg2[%dma_wait3A, %mul3A_2] : memref<4x2048xi32, #tpu.memory_space<hbm>> -> memref<1x64xi32, #tpu.memory_space<hbm>>
    %dma_wait3A_59 = tpu.memref_squeeze %dma_wait3A_58 : memref<1x64xi32, #tpu.memory_space<hbm>> -> memref<64xi32, #tpu.memory_space<hbm>>
    %dma_wait3A_60 = arith.constant 0 : i32
    %dma_wait3A_61 = tpu.memref_slice %arg6[%dma_wait3A_54, %dma_wait3A_60] : memref<4x64xi32, #tpu.memory_space<vmem>> -> memref<1x64xi32, #tpu.memory_space<vmem>>
    %dma_wait3A_62 = tpu.memref_squeeze %dma_wait3A_61 : memref<1x64xi32, #tpu.memory_space<vmem>> -> memref<64xi32, #tpu.memory_space<vmem>>
    %dma_wait3A_63 = tpu.memref_slice %arg2[%dma_wait3A, %mul3A_2] : memref<4x2048xi32, #tpu.memory_space<hbm>> -> memref<1x64xi32, #tpu.memory_space<hbm>>
    %dma_wait3A_64 = tpu.memref_squeeze %dma_wait3A_63 : memref<1x64xi32, #tpu.memory_space<hbm>> -> memref<64xi32, #tpu.memory_space<hbm>>
    tpu.wait_dma2 semaphore(%arg9 : memref<!tpu.dma_semaphore, #tpu.memory_space<semaphore_mem>>) src(%dma_wait3A_64 : memref<64xi32, #tpu.memory_space<hbm>>) dst(%dma_wait3A_62 : memref<64xi32, #tpu.memory_space<vmem>>)
    %dma_start3A_65 = arith.constant 0 : i32
    %dma_start3A_66 = arith.constant 0 : i32
    %dma_start3A_67 = arith.constant 0 : i32
    %dma_start3A_68 = tpu.memref_slice %arg8[%dma_start3A_66, %dma_start3A_67] : memref<256x128xf32, #tpu.memory_space<vmem>> -> memref<64x128xf32, #tpu.memory_space<vmem>>
    %dma_start3A_69 = arith.constant 0 : i32
    %dma_start3A_70 = tpu.memref_slice %arg6[%dma_start3A_65, %dma_start3A_69] : memref<4x64xi32, #tpu.memory_space<vmem>> -> memref<1x64xi32, #tpu.memory_space<vmem>>
    %dma_start3A_71 = tpu.memref_squeeze %dma_start3A_70 : memref<1x64xi32, #tpu.memory_space<vmem>> -> memref<64xi32, #tpu.memory_space<vmem>>
    %dma_start3A_72 = arith.constant 0 : i32
    %dma_start3A_73 = arith.constant 0 : i32
    %dma_start3A_74 = tpu.memref_slice %arg3[%dma_start3A_72, %dma_start3A_73] : memref<100000x128xf32, #tpu.memory_space<hbm>> -> memref<100000x128xf32, #tpu.memory_space<hbm>>
    tpu.enqueue_indirect_dma source(%dma_start3A_74 : memref<100000x128xf32, #tpu.memory_space<hbm>>) target(%dma_start3A_68 : memref<64x128xf32, #tpu.memory_space<vmem>>) offsets(%dma_start3A_71 : memref<64xi32, #tpu.memory_space<vmem>>) semaphore(%arg11 : memref<!tpu.dma_semaphore, #tpu.memory_space<semaphore_mem>>)
    %dma_wait3A_75 = arith.constant 1 : i32
    %dma_wait3A_76 = arith.constant 1 : i32
    %dma_wait3A_77 = arith.constant 0 : i32
    %dma_wait3A_78 = tpu.memref_slice %arg6[%dma_wait3A_76, %dma_wait3A_77] : memref<4x64xi32, #tpu.memory_space<vmem>> -> memref<1x64xi32, #tpu.memory_space<vmem>>
    %dma_wait3A_79 = tpu.memref_squeeze %dma_wait3A_78 : memref<1x64xi32, #tpu.memory_space<vmem>> -> memref<64xi32, #tpu.memory_space<vmem>>
    %dma_wait3A_80 = tpu.memref_slice %arg2[%dma_wait3A_75, %mul3A_2] : memref<4x2048xi32, #tpu.memory_space<hbm>> -> memref<1x64xi32, #tpu.memory_space<hbm>>
    %dma_wait3A_81 = tpu.memref_squeeze %dma_wait3A_80 : memref<1x64xi32, #tpu.memory_space<hbm>> -> memref<64xi32, #tpu.memory_space<hbm>>
    %dma_wait3A_82 = arith.constant 0 : i32
    %dma_wait3A_83 = tpu.memref_slice %arg6[%dma_wait3A_76, %dma_wait3A_82] : memref<4x64xi32, #tpu.memory_space<vmem>> -> memref<1x64xi32, #tpu.memory_space<vmem>>
    %dma_wait3A_84 = tpu.memref_squeeze %dma_wait3A_83 : memref<1x64xi32, #tpu.memory_space<vmem>> -> memref<64xi32, #tpu.memory_space<vmem>>
    %dma_wait3A_85 = tpu.memref_slice %arg2[%dma_wait3A_75, %mul3A_2] : memref<4x2048xi32, #tpu.memory_space<hbm>> -> memref<1x64xi32, #tpu.memory_space<hbm>>
    %dma_wait3A_86 = tpu.memref_squeeze %dma_wait3A_85 : memref<1x64xi32, #tpu.memory_space<hbm>> -> memref<64xi32, #tpu.memory_space<hbm>>
    tpu.wait_dma2 semaphore(%arg9 : memref<!tpu.dma_semaphore, #tpu.memory_space<semaphore_mem>>) src(%dma_wait3A_86 : memref<64xi32, #tpu.memory_space<hbm>>) dst(%dma_wait3A_84 : memref<64xi32, #tpu.memory_space<vmem>>)
    %dma_start3A_87 = arith.constant 1 : i32
    %dma_start3A_88 = arith.constant 64 : i32
    %dma_start3A_89 = arith.constant 0 : i32
    %dma_start3A_90 = tpu.memref_slice %arg8[%dma_start3A_88, %dma_start3A_89] : memref<256x128xf32, #tpu.memory_space<vmem>> -> memref<64x128xf32, #tpu.memory_space<vmem>>
    %dma_start3A_91 = arith.constant 0 : i32
    %dma_start3A_92 = tpu.memref_slice %arg6[%dma_start3A_87, %dma_start3A_91] : memref<4x64xi32, #tpu.memory_space<vmem>> -> memref<1x64xi32, #tpu.memory_space<vmem>>
    %dma_start3A_93 = tpu.memref_squeeze %dma_start3A_92 : memref<1x64xi32, #tpu.memory_space<vmem>> -> memref<64xi32, #tpu.memory_space<vmem>>
    %dma_start3A_94 = arith.constant 0 : i32
    %dma_start3A_95 = arith.constant 0 : i32
    %dma_start3A_96 = tpu.memref_slice %arg3[%dma_start3A_94, %dma_start3A_95] : memref<100000x128xf32, #tpu.memory_space<hbm>> -> memref<100000x128xf32, #tpu.memory_space<hbm>>
    tpu.enqueue_indirect_dma source(%dma_start3A_96 : memref<100000x128xf32, #tpu.memory_space<hbm>>) target(%dma_start3A_90 : memref<64x128xf32, #tpu.memory_space<vmem>>) offsets(%dma_start3A_93 : memref<64xi32, #tpu.memory_space<vmem>>) semaphore(%arg11 : memref<!tpu.dma_semaphore, #tpu.memory_space<semaphore_mem>>)
    %dma_wait3A_97 = arith.constant 2 : i32
    %dma_wait3A_98 = arith.constant 2 : i32
    %dma_wait3A_99 = arith.constant 0 : i32
    %dma_wait3A_100 = tpu.memref_slice %arg6[%dma_wait3A_98, %dma_wait3A_99] : memref<4x64xi32, #tpu.memory_space<vmem>> -> memref<1x64xi32, #tpu.memory_space<vmem>>
    %dma_wait3A_101 = tpu.memref_squeeze %dma_wait3A_100 : memref<1x64xi32, #tpu.memory_space<vmem>> -> memref<64xi32, #tpu.memory_space<vmem>>
    %dma_wait3A_102 = tpu.memref_slice %arg2[%dma_wait3A_97, %mul3A_2] : memref<4x2048xi32, #tpu.memory_space<hbm>> -> memref<1x64xi32, #tpu.memory_space<hbm>>
    %dma_wait3A_103 = tpu.memref_squeeze %dma_wait3A_102 : memref<1x64xi32, #tpu.memory_space<hbm>> -> memref<64xi32, #tpu.memory_space<hbm>>
    %dma_wait3A_104 = arith.constant 0 : i32
    %dma_wait3A_105 = tpu.memref_slice %arg6[%dma_wait3A_98, %dma_wait3A_104] : memref<4x64xi32, #tpu.memory_space<vmem>> -> memref<1x64xi32, #tpu.memory_space<vmem>>
    %dma_wait3A_106 = tpu.memref_squeeze %dma_wait3A_105 : memref<1x64xi32, #tpu.memory_space<vmem>> -> memref<64xi32, #tpu.memory_space<vmem>>
    %dma_wait3A_107 = tpu.memref_slice %arg2[%dma_wait3A_97, %mul3A_2] : memref<4x2048xi32, #tpu.memory_space<hbm>> -> memref<1x64xi32, #tpu.memory_space<hbm>>
    %dma_wait3A_108 = tpu.memref_squeeze %dma_wait3A_107 : memref<1x64xi32, #tpu.memory_space<hbm>> -> memref<64xi32, #tpu.memory_space<hbm>>
    tpu.wait_dma2 semaphore(%arg9 : memref<!tpu.dma_semaphore, #tpu.memory_space<semaphore_mem>>) src(%dma_wait3A_108 : memref<64xi32, #tpu.memory_space<hbm>>) dst(%dma_wait3A_106 : memref<64xi32, #tpu.memory_space<vmem>>)
    %dma_start3A_109 = arith.constant 2 : i32
    %dma_start3A_110 = arith.constant 128 : i32
    %dma_start3A_111 = arith.constant 0 : i32
    %dma_start3A_112 = tpu.memref_slice %arg8[%dma_start3A_110, %dma_start3A_111] : memref<256x128xf32, #tpu.memory_space<vmem>> -> memref<64x128xf32, #tpu.memory_space<vmem>>
    %dma_start3A_113 = arith.constant 0 : i32
    %dma_start3A_114 = tpu.memref_slice %arg6[%dma_start3A_109, %dma_start3A_113] : memref<4x64xi32, #tpu.memory_space<vmem>> -> memref<1x64xi32, #tpu.memory_space<vmem>>
    %dma_start3A_115 = tpu.memref_squeeze %dma_start3A_114 : memref<1x64xi32, #tpu.memory_space<vmem>> -> memref<64xi32, #tpu.memory_space<vmem>>
    %dma_start3A_116 = arith.constant 0 : i32
    %dma_start3A_117 = arith.constant 0 : i32
    %dma_start3A_118 = tpu.memref_slice %arg3[%dma_start3A_116, %dma_start3A_117] : memref<100000x128xf32, #tpu.memory_space<hbm>> -> memref<100000x128xf32, #tpu.memory_space<hbm>>
    tpu.enqueue_indirect_dma source(%dma_start3A_118 : memref<100000x128xf32, #tpu.memory_space<hbm>>) target(%dma_start3A_112 : memref<64x128xf32, #tpu.memory_space<vmem>>) offsets(%dma_start3A_115 : memref<64xi32, #tpu.memory_space<vmem>>) semaphore(%arg11 : memref<!tpu.dma_semaphore, #tpu.memory_space<semaphore_mem>>)
    %dma_wait3A_119 = arith.constant 3 : i32
    %dma_wait3A_120 = arith.constant 3 : i32
    %dma_wait3A_121 = arith.constant 0 : i32
    %dma_wait3A_122 = tpu.memref_slice %arg6[%dma_wait3A_120, %dma_wait3A_121] : memref<4x64xi32, #tpu.memory_space<vmem>> -> memref<1x64xi32, #tpu.memory_space<vmem>>
    %dma_wait3A_123 = tpu.memref_squeeze %dma_wait3A_122 : memref<1x64xi32, #tpu.memory_space<vmem>> -> memref<64xi32, #tpu.memory_space<vmem>>
    %dma_wait3A_124 = tpu.memref_slice %arg2[%dma_wait3A_119, %mul3A_2] : memref<4x2048xi32, #tpu.memory_space<hbm>> -> memref<1x64xi32, #tpu.memory_space<hbm>>
    %dma_wait3A_125 = tpu.memref_squeeze %dma_wait3A_124 : memref<1x64xi32, #tpu.memory_space<hbm>> -> memref<64xi32, #tpu.memory_space<hbm>>
    %dma_wait3A_126 = arith.constant 0 : i32
    %dma_wait3A_127 = tpu.memref_slice %arg6[%dma_wait3A_120, %dma_wait3A_126] : memref<4x64xi32, #tpu.memory_space<vmem>> -> memref<1x64xi32, #tpu.memory_space<vmem>>
    %dma_wait3A_128 = tpu.memref_squeeze %dma_wait3A_127 : memref<1x64xi32, #tpu.memory_space<vmem>> -> memref<64xi32, #tpu.memory_space<vmem>>
    %dma_wait3A_129 = tpu.memref_slice %arg2[%dma_wait3A_119, %mul3A_2] : memref<4x2048xi32, #tpu.memory_space<hbm>> -> memref<1x64xi32, #tpu.memory_space<hbm>>
    %dma_wait3A_130 = tpu.memref_squeeze %dma_wait3A_129 : memref<1x64xi32, #tpu.memory_space<hbm>> -> memref<64xi32, #tpu.memory_space<hbm>>
    tpu.wait_dma2 semaphore(%arg9 : memref<!tpu.dma_semaphore, #tpu.memory_space<semaphore_mem>>) src(%dma_wait3A_130 : memref<64xi32, #tpu.memory_space<hbm>>) dst(%dma_wait3A_128 : memref<64xi32, #tpu.memory_space<vmem>>)
    %dma_start3A_131 = arith.constant 3 : i32
    %dma_start3A_132 = arith.constant 192 : i32
    %dma_start3A_133 = arith.constant 0 : i32
    %dma_start3A_134 = tpu.memref_slice %arg8[%dma_start3A_132, %dma_start3A_133] : memref<256x128xf32, #tpu.memory_space<vmem>> -> memref<64x128xf32, #tpu.memory_space<vmem>>
    %dma_start3A_135 = arith.constant 0 : i32
    %dma_start3A_136 = tpu.memref_slice %arg6[%dma_start3A_131, %dma_start3A_135] : memref<4x64xi32, #tpu.memory_space<vmem>> -> memref<1x64xi32, #tpu.memory_space<vmem>>
    %dma_start3A_137 = tpu.memref_squeeze %dma_start3A_136 : memref<1x64xi32, #tpu.memory_space<vmem>> -> memref<64xi32, #tpu.memory_space<vmem>>
    %dma_start3A_138 = arith.constant 0 : i32
    %dma_start3A_139 = arith.constant 0 : i32
    %dma_start3A_140 = tpu.memref_slice %arg3[%dma_start3A_138, %dma_start3A_139] : memref<100000x128xf32, #tpu.memory_space<hbm>> -> memref<100000x128xf32, #tpu.memory_space<hbm>>
    tpu.enqueue_indirect_dma source(%dma_start3A_140 : memref<100000x128xf32, #tpu.memory_space<hbm>>) target(%dma_start3A_134 : memref<64x128xf32, #tpu.memory_space<vmem>>) offsets(%dma_start3A_137 : memref<64xi32, #tpu.memory_space<vmem>>) semaphore(%arg11 : memref<!tpu.dma_semaphore, #tpu.memory_space<semaphore_mem>>)
    %dma_wait3A_141 = arith.constant 0 : i32
    %dma_wait3A_142 = tpu.memref_slice %arg4[%mul3A_2, %dma_wait3A_141] : memref<2048x128xf32, #tpu.memory_space<hbm>> -> memref<64x128xf32, #tpu.memory_space<hbm>>
    %dma_wait3A_143 = arith.constant 0 : i32
    %dma_wait3A_144 = tpu.memref_slice %arg4[%mul3A_2, %dma_wait3A_143] : memref<2048x128xf32, #tpu.memory_space<hbm>> -> memref<64x128xf32, #tpu.memory_space<hbm>>
    tpu.wait_dma2 semaphore(%arg10 : memref<!tpu.dma_semaphore, #tpu.memory_space<semaphore_mem>>) src(%dma_wait3A_144 : memref<64x128xf32, #tpu.memory_space<hbm>>) dst(%arg7 : memref<64x128xf32, #tpu.memory_space<vmem>>)
    %dma_wait3A_145 = arith.constant 0 : i32
    %dma_wait3A_146 = arith.constant 0 : i32
    %dma_wait3A_147 = arith.constant 0 : i32
    %dma_wait3A_148 = tpu.memref_slice %arg8[%dma_wait3A_146, %dma_wait3A_147] : memref<256x128xf32, #tpu.memory_space<vmem>> -> memref<64x128xf32, #tpu.memory_space<vmem>>
    %dma_wait3A_149 = arith.constant 0 : i32
    %dma_wait3A_150 = tpu.memref_slice %arg6[%dma_wait3A_145, %dma_wait3A_149] : memref<4x64xi32, #tpu.memory_space<vmem>> -> memref<1x64xi32, #tpu.memory_space<vmem>>
    %dma_wait3A_151 = tpu.memref_squeeze %dma_wait3A_150 : memref<1x64xi32, #tpu.memory_space<vmem>> -> memref<64xi32, #tpu.memory_space<vmem>>
    %dma_wait3A_152 = arith.constant 0 : i32
    %dma_wait3A_153 = arith.constant 0 : i32
    %dma_wait3A_154 = tpu.memref_slice %arg3[%dma_wait3A_152, %dma_wait3A_153] : memref<100000x128xf32, #tpu.memory_space<hbm>> -> memref<100000x128xf32, #tpu.memory_space<hbm>>
    tpu.wait_indirect_dma semaphore(%arg11 : memref<!tpu.dma_semaphore, #tpu.memory_space<semaphore_mem>>) src(%dma_wait3A_154 : memref<100000x128xf32, #tpu.memory_space<hbm>>) dst(%dma_wait3A_148 : memref<64x128xf32, #tpu.memory_space<vmem>>)
    %scan3A = arith.constant 0 : i32
    %scan3A_155 = arith.constant 64 : i32
    %scan3A_156 = arith.addi %scan3A, %scan3A_155 : i32
    %scan3A_157 = arith.constant 1 : i32
    scf.for %scan3A_308 = %scan3A to %scan3A_156 step %scan3A_157  : i32 {
      %mul3A_309 = arith.constant 1 : i32
      %mul3A_310 = arith.muli %scan3A_308, %mul3A_309 : i32
      %add3A_311 = arith.constant 0 : i32
      %add3A_312 = arith.addi %add3A_311, %mul3A_310 : i32
      %add3A_313 = arith.constant 0 : i32
      %add3A_314 = arith.addi %add3A_313, %add3A_312 : i32
      %get3A = arith.index_cast %add3A_312 : i32 to index
      %get3A_315 = arith.constant 0 : index
      %get3A_316 = tpu.vector_load %arg7[%get3A, %get3A_315] {strides = array<i32>} : memref<64x128xf32, #tpu.memory_space<vmem>>, vector<1x16xf32>,
      %get3A_317 = vector.shape_cast %get3A_316 : vector<1x16xf32> to vector<16xf32>
      %swap3A = arith.index_cast %add3A_314 : i32 to index
      %swap3A_318 = arith.constant 0 : index
      %swap3A_319 = tpu.vector_load %arg8[%swap3A, %swap3A_318] {strides = array<i32>} : memref<256x128xf32, #tpu.memory_space<vmem>>, vector<1x16xf32>,
      %swap3A_320 = vector.shape_cast %swap3A_319 : vector<1x16xf32> to vector<16xf32>
      %swap3A_321 = vector.shape_cast %get3A_317 : vector<16xf32> to vector<1x16xf32>
      tpu.vector_store %arg8[%swap3A, %swap3A_318], %swap3A_321 {add = true, strides = array<i32>} : memref<256x128xf32, #tpu.memory_space<vmem>>, vector<1x16xf32>,
      %add3A_322 = arith.constant 0 : i32
      %add3A_323 = arith.addi %add3A_322, %add3A_312 : i32
      %get3A_324 = arith.index_cast %add3A_312 : i32 to index
      %get3A_325 = arith.constant 16 : index
      %get3A_326 = tpu.vector_load %arg7[%get3A_324, %get3A_325] {strides = array<i32>} : memref<64x128xf32, #tpu.memory_space<vmem>>, vector<1x16xf32>,
      %get3A_327 = vector.shape_cast %get3A_326 : vector<1x16xf32> to vector<16xf32>
      %swap3A_328 = arith.index_cast %add3A_323 : i32 to index
      %swap3A_329 = arith.constant 16 : index
      %swap3A_330 = tpu.vector_load %arg8[%swap3A_328, %swap3A_329] {strides = array<i32>} : memref<256x128xf32, #tpu.memory_space<vmem>>, vector<1x16xf32>,
      %swap3A_331 = vector.shape_cast %swap3A_330 : vector<1x16xf32> to vector<16xf32>
      %swap3A_332 = vector.shape_cast %get3A_327 : vector<16xf32> to vector<1x16xf32>
      tpu.vector_store %arg8[%swap3A_328, %swap3A_329], %swap3A_332 {add = true, strides = array<i32>} : memref<256x128xf32, #tpu.memory_space<vmem>>, vector<1x16xf32>,
      %add3A_333 = arith.constant 0 : i32
      %add3A_334 = arith.addi %add3A_333, %add3A_312 : i32
      %get3A_335 = arith.index_cast %add3A_312 : i32 to index
      %get3A_336 = arith.constant 32 : index
      %get3A_337 = tpu.vector_load %arg7[%get3A_335, %get3A_336] {strides = array<i32>} : memref<64x128xf32, #tpu.memory_space<vmem>>, vector<1x16xf32>,
      %get3A_338 = vector.shape_cast %get3A_337 : vector<1x16xf32> to vector<16xf32>
      %swap3A_339 = arith.index_cast %add3A_334 : i32 to index
      %swap3A_340 = arith.constant 32 : index
      %swap3A_341 = tpu.vector_load %arg8[%swap3A_339, %swap3A_340] {strides = array<i32>} : memref<256x128xf32, #tpu.memory_space<vmem>>, vector<1x16xf32>,
      %swap3A_342 = vector.shape_cast %swap3A_341 : vector<1x16xf32> to vector<16xf32>
      %swap3A_343 = vector.shape_cast %get3A_338 : vector<16xf32> to vector<1x16xf32>
      tpu.vector_store %arg8[%swap3A_339, %swap3A_340], %swap3A_343 {add = true, strides = array<i32>} : memref<256x128xf32, #tpu.memory_space<vmem>>, vector<1x16xf32>,
      %add3A_344 = arith.constant 0 : i32
      %add3A_345 = arith.addi %add3A_344, %add3A_312 : i32
      %get3A_346 = arith.index_cast %add3A_312 : i32 to index
      %get3A_347 = arith.constant 48 : index
      %get3A_348 = tpu.vector_load %arg7[%get3A_346, %get3A_347] {strides = array<i32>} : memref<64x128xf32, #tpu.memory_space<vmem>>, vector<1x16xf32>,
      %get3A_349 = vector.shape_cast %get3A_348 : vector<1x16xf32> to vector<16xf32>
      %swap3A_350 = arith.index_cast %add3A_345 : i32 to index
      %swap3A_351 = arith.constant 48 : index
      %swap3A_352 = tpu.vector_load %arg8[%swap3A_350, %swap3A_351] {strides = array<i32>} : memref<256x128xf32, #tpu.memory_space<vmem>>, vector<1x16xf32>,
      %swap3A_353 = vector.shape_cast %swap3A_352 : vector<1x16xf32> to vector<16xf32>
      %swap3A_354 = vector.shape_cast %get3A_349 : vector<16xf32> to vector<1x16xf32>
      tpu.vector_store %arg8[%swap3A_350, %swap3A_351], %swap3A_354 {add = true, strides = array<i32>} : memref<256x128xf32, #tpu.memory_space<vmem>>, vector<1x16xf32>,
      %add3A_355 = arith.constant 0 : i32
      %add3A_356 = arith.addi %add3A_355, %add3A_312 : i32
      %get3A_357 = arith.index_cast %add3A_312 : i32 to index
      %get3A_358 = arith.constant 64 : index
      %get3A_359 = tpu.vector_load %arg7[%get3A_357, %get3A_358] {strides = array<i32>} : memref<64x128xf32, #tpu.memory_space<vmem>>, vector<1x16xf32>,
      %get3A_360 = vector.shape_cast %get3A_359 : vector<1x16xf32> to vector<16xf32>
      %swap3A_361 = arith.index_cast %add3A_356 : i32 to index
      %swap3A_362 = arith.constant 64 : index
      %swap3A_363 = tpu.vector_load %arg8[%swap3A_361, %swap3A_362] {strides = array<i32>} : memref<256x128xf32, #tpu.memory_space<vmem>>, vector<1x16xf32>,
      %swap3A_364 = vector.shape_cast %swap3A_363 : vector<1x16xf32> to vector<16xf32>
      %swap3A_365 = vector.shape_cast %get3A_360 : vector<16xf32> to vector<1x16xf32>
      tpu.vector_store %arg8[%swap3A_361, %swap3A_362], %swap3A_365 {add = true, strides = array<i32>} : memref<256x128xf32, #tpu.memory_space<vmem>>, vector<1x16xf32>,
      %add3A_366 = arith.constant 0 : i32
      %add3A_367 = arith.addi %add3A_366, %add3A_312 : i32
      %get3A_368 = arith.index_cast %add3A_312 : i32 to index
      %get3A_369 = arith.constant 80 : index
      %get3A_370 = tpu.vector_load %arg7[%get3A_368, %get3A_369] {strides = array<i32>} : memref<64x128xf32, #tpu.memory_space<vmem>>, vector<1x16xf32>,
      %get3A_371 = vector.shape_cast %get3A_370 : vector<1x16xf32> to vector<16xf32>
      %swap3A_372 = arith.index_cast %add3A_367 : i32 to index
      %swap3A_373 = arith.constant 80 : index
      %swap3A_374 = tpu.vector_load %arg8[%swap3A_372, %swap3A_373] {strides = array<i32>} : memref<256x128xf32, #tpu.memory_space<vmem>>, vector<1x16xf32>,
      %swap3A_375 = vector.shape_cast %swap3A_374 : vector<1x16xf32> to vector<16xf32>
      %swap3A_376 = vector.shape_cast %get3A_371 : vector<16xf32> to vector<1x16xf32>
      tpu.vector_store %arg8[%swap3A_372, %swap3A_373], %swap3A_376 {add = true, strides = array<i32>} : memref<256x128xf32, #tpu.memory_space<vmem>>, vector<1x16xf32>,
      %add3A_377 = arith.constant 0 : i32
      %add3A_378 = arith.addi %add3A_377, %add3A_312 : i32
      %get3A_379 = arith.index_cast %add3A_312 : i32 to index
      %get3A_380 = arith.constant 96 : index
      %get3A_381 = tpu.vector_load %arg7[%get3A_379, %get3A_380] {strides = array<i32>} : memref<64x128xf32, #tpu.memory_space<vmem>>, vector<1x16xf32>,
      %get3A_382 = vector.shape_cast %get3A_381 : vector<1x16xf32> to vector<16xf32>
      %swap3A_383 = arith.index_cast %add3A_378 : i32 to index
      %swap3A_384 = arith.constant 96 : index
      %swap3A_385 = tpu.vector_load %arg8[%swap3A_383, %swap3A_384] {strides = array<i32>} : memref<256x128xf32, #tpu.memory_space<vmem>>, vector<1x16xf32>,
      %swap3A_386 = vector.shape_cast %swap3A_385 : vector<1x16xf32> to vector<16xf32>
      %swap3A_387 = vector.shape_cast %get3A_382 : vector<16xf32> to vector<1x16xf32>
      tpu.vector_store %arg8[%swap3A_383, %swap3A_384], %swap3A_387 {add = true, strides = array<i32>} : memref<256x128xf32, #tpu.memory_space<vmem>>, vector<1x16xf32>,
      %add3A_388 = arith.constant 0 : i32
      %add3A_389 = arith.addi %add3A_388, %add3A_312 : i32
      %get3A_390 = arith.index_cast %add3A_312 : i32 to index
      %get3A_391 = arith.constant 112 : index
      %get3A_392 = tpu.vector_load %arg7[%get3A_390, %get3A_391] {strides = array<i32>} : memref<64x128xf32, #tpu.memory_space<vmem>>, vector<1x16xf32>,
      %get3A_393 = vector.shape_cast %get3A_392 : vector<1x16xf32> to vector<16xf32>
      %swap3A_394 = arith.index_cast %add3A_389 : i32 to index
      %swap3A_395 = arith.constant 112 : index
      %swap3A_396 = tpu.vector_load %arg8[%swap3A_394, %swap3A_395] {strides = array<i32>} : memref<256x128xf32, #tpu.memory_space<vmem>>, vector<1x16xf32>,
      %swap3A_397 = vector.shape_cast %swap3A_396 : vector<1x16xf32> to vector<16xf32>
      %swap3A_398 = vector.shape_cast %get3A_393 : vector<16xf32> to vector<1x16xf32>
      tpu.vector_store %arg8[%swap3A_394, %swap3A_395], %swap3A_398 {add = true, strides = array<i32>} : memref<256x128xf32, #tpu.memory_space<vmem>>, vector<1x16xf32>,
    }
    %scan3A_158 = arith.constant 64 : i32
    %dma_start3A_159 = arith.constant 0 : i32
    %dma_start3A_160 = arith.constant 0 : i32
    %dma_start3A_161 = arith.constant 0 : i32
    %dma_start3A_162 = tpu.memref_slice %arg8[%dma_start3A_160, %dma_start3A_161] : memref<256x128xf32, #tpu.memory_space<vmem>> -> memref<64x128xf32, #tpu.memory_space<vmem>>
    %dma_start3A_163 = arith.constant 0 : i32
    %dma_start3A_164 = tpu.memref_slice %arg5[%dma_start3A_159, %mul3A_2, %dma_start3A_163] : memref<4x2048x128xf32, #tpu.memory_space<hbm>> -> memref<1x64x128xf32, #tpu.memory_space<hbm>>
    %dma_start3A_165 = tpu.memref_squeeze %dma_start3A_164 : memref<1x64x128xf32, #tpu.memory_space<hbm>> -> memref<64x128xf32, #tpu.memory_space<hbm>>
    %dma_start3A_166 = arith.constant 0 : i32
    %dma_start3A_167 = tpu.memref_slice %arg5[%dma_start3A_159, %mul3A_2, %dma_start3A_166] : memref<4x2048x128xf32, #tpu.memory_space<hbm>> -> memref<1x64x128xf32, #tpu.memory_space<hbm>>
    %dma_start3A_168 = tpu.memref_squeeze %dma_start3A_167 : memref<1x64x128xf32, #tpu.memory_space<hbm>> -> memref<64x128xf32, #tpu.memory_space<hbm>>
    %dma_start3A_169 = arith.constant 0 : i32
    %dma_start3A_170 = arith.constant 0 : i32
    %dma_start3A_171 = tpu.memref_slice %arg8[%dma_start3A_169, %dma_start3A_170] : memref<256x128xf32, #tpu.memory_space<vmem>> -> memref<64x128xf32, #tpu.memory_space<vmem>>
    tpu.enqueue_dma source(%dma_start3A_171 : memref<64x128xf32, #tpu.memory_space<vmem>>) target(%dma_start3A_168 : memref<64x128xf32, #tpu.memory_space<hbm>>) target_semaphore(%arg12 : memref<!tpu.dma_semaphore, #tpu.memory_space<semaphore_mem>>)
    %dma_wait3A_172 = arith.constant 1 : i32
    %dma_wait3A_173 = arith.constant 64 : i32
    %dma_wait3A_174 = arith.constant 0 : i32
    %dma_wait3A_175 = tpu.memref_slice %arg8[%dma_wait3A_173, %dma_wait3A_174] : memref<256x128xf32, #tpu.memory_space<vmem>> -> memref<64x128xf32, #tpu.memory_space<vmem>>
    %dma_wait3A_176 = arith.constant 0 : i32
    %dma_wait3A_177 = tpu.memref_slice %arg6[%dma_wait3A_172, %dma_wait3A_176] : memref<4x64xi32, #tpu.memory_space<vmem>> -> memref<1x64xi32, #tpu.memory_space<vmem>>
    %dma_wait3A_178 = tpu.memref_squeeze %dma_wait3A_177 : memref<1x64xi32, #tpu.memory_space<vmem>> -> memref<64xi32, #tpu.memory_space<vmem>>
    %dma_wait3A_179 = arith.constant 0 : i32
    %dma_wait3A_180 = arith.constant 0 : i32
    %dma_wait3A_181 = tpu.memref_slice %arg3[%dma_wait3A_179, %dma_wait3A_180] : memref<100000x128xf32, #tpu.memory_space<hbm>> -> memref<100000x128xf32, #tpu.memory_space<hbm>>
    tpu.wait_indirect_dma semaphore(%arg11 : memref<!tpu.dma_semaphore, #tpu.memory_space<semaphore_mem>>) src(%dma_wait3A_181 : memref<100000x128xf32, #tpu.memory_space<hbm>>) dst(%dma_wait3A_175 : memref<64x128xf32, #tpu.memory_space<vmem>>)
    %scan3A_182 = arith.constant 0 : i32
    %scan3A_183 = arith.constant 64 : i32
    %scan3A_184 = arith.addi %scan3A_182, %scan3A_183 : i32
    %scan3A_185 = arith.constant 1 : i32
    scf.for %scan3A_308 = %scan3A_182 to %scan3A_184 step %scan3A_185  : i32 {
      %mul3A_309 = arith.constant 1 : i32
      %mul3A_310 = arith.muli %scan3A_308, %mul3A_309 : i32
      %add3A_311 = arith.constant 0 : i32
      %add3A_312 = arith.addi %add3A_311, %mul3A_310 : i32
      %add3A_313 = arith.constant 64 : i32
      %add3A_314 = arith.addi %add3A_313, %add3A_312 : i32
      %get3A = arith.index_cast %add3A_312 : i32 to index
      %get3A_315 = arith.constant 0 : index
      %get3A_316 = tpu.vector_load %arg7[%get3A, %get3A_315] {strides = array<i32>} : memref<64x128xf32, #tpu.memory_space<vmem>>, vector<1x16xf32>,
      %get3A_317 = vector.shape_cast %get3A_316 : vector<1x16xf32> to vector<16xf32>
      %swap3A = arith.index_cast %add3A_314 : i32 to index
      %swap3A_318 = arith.constant 0 : index
      %swap3A_319 = tpu.vector_load %arg8[%swap3A, %swap3A_318] {strides = array<i32>} : memref<256x128xf32, #tpu.memory_space<vmem>>, vector<1x16xf32>,
      %swap3A_320 = vector.shape_cast %swap3A_319 : vector<1x16xf32> to vector<16xf32>
      %swap3A_321 = vector.shape_cast %get3A_317 : vector<16xf32> to vector<1x16xf32>
      tpu.vector_store %arg8[%swap3A, %swap3A_318], %swap3A_321 {add = true, strides = array<i32>} : memref<256x128xf32, #tpu.memory_space<vmem>>, vector<1x16xf32>,
      %add3A_322 = arith.constant 64 : i32
      %add3A_323 = arith.addi %add3A_322, %add3A_312 : i32
      %get3A_324 = arith.index_cast %add3A_312 : i32 to index
      %get3A_325 = arith.constant 16 : index
      %get3A_326 = tpu.vector_load %arg7[%get3A_324, %get3A_325] {strides = array<i32>} : memref<64x128xf32, #tpu.memory_space<vmem>>, vector<1x16xf32>,
      %get3A_327 = vector.shape_cast %get3A_326 : vector<1x16xf32> to vector<16xf32>
      %swap3A_328 = arith.index_cast %add3A_323 : i32 to index
      %swap3A_329 = arith.constant 16 : index
      %swap3A_330 = tpu.vector_load %arg8[%swap3A_328, %swap3A_329] {strides = array<i32>} : memref<256x128xf32, #tpu.memory_space<vmem>>, vector<1x16xf32>,
      %swap3A_331 = vector.shape_cast %swap3A_330 : vector<1x16xf32> to vector<16xf32>
      %swap3A_332 = vector.shape_cast %get3A_327 : vector<16xf32> to vector<1x16xf32>
      tpu.vector_store %arg8[%swap3A_328, %swap3A_329], %swap3A_332 {add = true, strides = array<i32>} : memref<256x128xf32, #tpu.memory_space<vmem>>, vector<1x16xf32>,
      %add3A_333 = arith.constant 64 : i32
      %add3A_334 = arith.addi %add3A_333, %add3A_312 : i32
      %get3A_335 = arith.index_cast %add3A_312 : i32 to index
      %get3A_336 = arith.constant 32 : index
      %get3A_337 = tpu.vector_load %arg7[%get3A_335, %get3A_336] {strides = array<i32>} : memref<64x128xf32, #tpu.memory_space<vmem>>, vector<1x16xf32>,
      %get3A_338 = vector.shape_cast %get3A_337 : vector<1x16xf32> to vector<16xf32>
      %swap3A_339 = arith.index_cast %add3A_334 : i32 to index
      %swap3A_340 = arith.constant 32 : index
      %swap3A_341 = tpu.vector_load %arg8[%swap3A_339, %swap3A_340] {strides = array<i32>} : memref<256x128xf32, #tpu.memory_space<vmem>>, vector<1x16xf32>,
      %swap3A_342 = vector.shape_cast %swap3A_341 : vector<1x16xf32> to vector<16xf32>
      %swap3A_343 = vector.shape_cast %get3A_338 : vector<16xf32> to vector<1x16xf32>
      tpu.vector_store %arg8[%swap3A_339, %swap3A_340], %swap3A_343 {add = true, strides = array<i32>} : memref<256x128xf32, #tpu.memory_space<vmem>>, vector<1x16xf32>,
      %add3A_344 = arith.constant 64 : i32
      %add3A_345 = arith.addi %add3A_344, %add3A_312 : i32
      %get3A_346 = arith.index_cast %add3A_312 : i32 to index
      %get3A_347 = arith.constant 48 : index
      %get3A_348 = tpu.vector_load %arg7[%get3A_346, %get3A_347] {strides = array<i32>} : memref<64x128xf32, #tpu.memory_space<vmem>>, vector<1x16xf32>,
      %get3A_349 = vector.shape_cast %get3A_348 : vector<1x16xf32> to vector<16xf32>
      %swap3A_350 = arith.index_cast %add3A_345 : i32 to index
      %swap3A_351 = arith.constant 48 : index
      %swap3A_352 = tpu.vector_load %arg8[%swap3A_350, %swap3A_351] {strides = array<i32>} : memref<256x128xf32, #tpu.memory_space<vmem>>, vector<1x16xf32>,
      %swap3A_353 = vector.shape_cast %swap3A_352 : vector<1x16xf32> to vector<16xf32>
      %swap3A_354 = vector.shape_cast %get3A_349 : vector<16xf32> to vector<1x16xf32>
      tpu.vector_store %arg8[%swap3A_350, %swap3A_351], %swap3A_354 {add = true, strides = array<i32>} : memref<256x128xf32, #tpu.memory_space<vmem>>, vector<1x16xf32>,
      %add3A_355 = arith.constant 64 : i32
      %add3A_356 = arith.addi %add3A_355, %add3A_312 : i32
      %get3A_357 = arith.index_cast %add3A_312 : i32 to index
      %get3A_358 = arith.constant 64 : index
      %get3A_359 = tpu.vector_load %arg7[%get3A_357, %get3A_358] {strides = array<i32>} : memref<64x128xf32, #tpu.memory_space<vmem>>, vector<1x16xf32>,
      %get3A_360 = vector.shape_cast %get3A_359 : vector<1x16xf32> to vector<16xf32>
      %swap3A_361 = arith.index_cast %add3A_356 : i32 to index
      %swap3A_362 = arith.constant 64 : index
      %swap3A_363 = tpu.vector_load %arg8[%swap3A_361, %swap3A_362] {strides = array<i32>} : memref<256x128xf32, #tpu.memory_space<vmem>>, vector<1x16xf32>,
      %swap3A_364 = vector.shape_cast %swap3A_363 : vector<1x16xf32> to vector<16xf32>
      %swap3A_365 = vector.shape_cast %get3A_360 : vector<16xf32> to vector<1x16xf32>
      tpu.vector_store %arg8[%swap3A_361, %swap3A_362], %swap3A_365 {add = true, strides = array<i32>} : memref<256x128xf32, #tpu.memory_space<vmem>>, vector<1x16xf32>,
      %add3A_366 = arith.constant 64 : i32
      %add3A_367 = arith.addi %add3A_366, %add3A_312 : i32
      %get3A_368 = arith.index_cast %add3A_312 : i32 to index
      %get3A_369 = arith.constant 80 : index
      %get3A_370 = tpu.vector_load %arg7[%get3A_368, %get3A_369] {strides = array<i32>} : memref<64x128xf32, #tpu.memory_space<vmem>>, vector<1x16xf32>,
      %get3A_371 = vector.shape_cast %get3A_370 : vector<1x16xf32> to vector<16xf32>
      %swap3A_372 = arith.index_cast %add3A_367 : i32 to index
      %swap3A_373 = arith.constant 80 : index
      %swap3A_374 = tpu.vector_load %arg8[%swap3A_372, %swap3A_373] {strides = array<i32>} : memref<256x128xf32, #tpu.memory_space<vmem>>, vector<1x16xf32>,
      %swap3A_375 = vector.shape_cast %swap3A_374 : vector<1x16xf32> to vector<16xf32>
      %swap3A_376 = vector.shape_cast %get3A_371 : vector<16xf32> to vector<1x16xf32>
      tpu.vector_store %arg8[%swap3A_372, %swap3A_373], %swap3A_376 {add = true, strides = array<i32>} : memref<256x128xf32, #tpu.memory_space<vmem>>, vector<1x16xf32>,
      %add3A_377 = arith.constant 64 : i32
      %add3A_378 = arith.addi %add3A_377, %add3A_312 : i32
      %get3A_379 = arith.index_cast %add3A_312 : i32 to index
      %get3A_380 = arith.constant 96 : index
      %get3A_381 = tpu.vector_load %arg7[%get3A_379, %get3A_380] {strides = array<i32>} : memref<64x128xf32, #tpu.memory_space<vmem>>, vector<1x16xf32>,
      %get3A_382 = vector.shape_cast %get3A_381 : vector<1x16xf32> to vector<16xf32>
      %swap3A_383 = arith.index_cast %add3A_378 : i32 to index
      %swap3A_384 = arith.constant 96 : index
      %swap3A_385 = tpu.vector_load %arg8[%swap3A_383, %swap3A_384] {strides = array<i32>} : memref<256x128xf32, #tpu.memory_space<vmem>>, vector<1x16xf32>,
      %swap3A_386 = vector.shape_cast %swap3A_385 : vector<1x16xf32> to vector<16xf32>
      %swap3A_387 = vector.shape_cast %get3A_382 : vector<16xf32> to vector<1x16xf32>
      tpu.vector_store %arg8[%swap3A_383, %swap3A_384], %swap3A_387 {add = true, strides = array<i32>} : memref<256x128xf32, #tpu.memory_space<vmem>>, vector<1x16xf32>,
      %add3A_388 = arith.constant 64 : i32
      %add3A_389 = arith.addi %add3A_388, %add3A_312 : i32
      %get3A_390 = arith.index_cast %add3A_312 : i32 to index
      %get3A_391 = arith.constant 112 : index
      %get3A_392 = tpu.vector_load %arg7[%get3A_390, %get3A_391] {strides = array<i32>} : memref<64x128xf32, #tpu.memory_space<vmem>>, vector<1x16xf32>,
      %get3A_393 = vector.shape_cast %get3A_392 : vector<1x16xf32> to vector<16xf32>
      %swap3A_394 = arith.index_cast %add3A_389 : i32 to index
      %swap3A_395 = arith.constant 112 : index
      %swap3A_396 = tpu.vector_load %arg8[%swap3A_394, %swap3A_395] {strides = array<i32>} : memref<256x128xf32, #tpu.memory_space<vmem>>, vector<1x16xf32>,
      %swap3A_397 = vector.shape_cast %swap3A_396 : vector<1x16xf32> to vector<16xf32>
      %swap3A_398 = vector.shape_cast %get3A_393 : vector<16xf32> to vector<1x16xf32>
      tpu.vector_store %arg8[%swap3A_394, %swap3A_395], %swap3A_398 {add = true, strides = array<i32>} : memref<256x128xf32, #tpu.memory_space<vmem>>, vector<1x16xf32>,
    }
    %scan3A_186 = arith.constant 64 : i32
    %dma_start3A_187 = arith.constant 1 : i32
    %dma_start3A_188 = arith.constant 64 : i32
    %dma_start3A_189 = arith.constant 0 : i32
    %dma_start3A_190 = tpu.memref_slice %arg8[%dma_start3A_188, %dma_start3A_189] : memref<256x128xf32, #tpu.memory_space<vmem>> -> memref<64x128xf32, #tpu.memory_space<vmem>>
    %dma_start3A_191 = arith.constant 0 : i32
    %dma_start3A_192 = tpu.memref_slice %arg5[%dma_start3A_187, %mul3A_2, %dma_start3A_191] : memref<4x2048x128xf32, #tpu.memory_space<hbm>> -> memref<1x64x128xf32, #tpu.memory_space<hbm>>
    %dma_start3A_193 = tpu.memref_squeeze %dma_start3A_192 : memref<1x64x128xf32, #tpu.memory_space<hbm>> -> memref<64x128xf32, #tpu.memory_space<hbm>>
    %dma_start3A_194 = arith.constant 0 : i32
    %dma_start3A_195 = tpu.memref_slice %arg5[%dma_start3A_187, %mul3A_2, %dma_start3A_194] : memref<4x2048x128xf32, #tpu.memory_space<hbm>> -> memref<1x64x128xf32, #tpu.memory_space<hbm>>
    %dma_start3A_196 = tpu.memref_squeeze %dma_start3A_195 : memref<1x64x128xf32, #tpu.memory_space<hbm>> -> memref<64x128xf32, #tpu.memory_space<hbm>>
    %dma_start3A_197 = arith.constant 64 : i32
    %dma_start3A_198 = arith.constant 0 : i32
    %dma_start3A_199 = tpu.memref_slice %arg8[%dma_start3A_197, %dma_start3A_198] : memref<256x128xf32, #tpu.memory_space<vmem>> -> memref<64x128xf32, #tpu.memory_space<vmem>>
    tpu.enqueue_dma source(%dma_start3A_199 : memref<64x128xf32, #tpu.memory_space<vmem>>) target(%dma_start3A_196 : memref<64x128xf32, #tpu.memory_space<hbm>>) target_semaphore(%arg12 : memref<!tpu.dma_semaphore, #tpu.memory_space<semaphore_mem>>)
    %dma_wait3A_200 = arith.constant 2 : i32
    %dma_wait3A_201 = arith.constant 128 : i32
    %dma_wait3A_202 = arith.constant 0 : i32
    %dma_wait3A_203 = tpu.memref_slice %arg8[%dma_wait3A_201, %dma_wait3A_202] : memref<256x128xf32, #tpu.memory_space<vmem>> -> memref<64x128xf32, #tpu.memory_space<vmem>>
    %dma_wait3A_204 = arith.constant 0 : i32
    %dma_wait3A_205 = tpu.memref_slice %arg6[%dma_wait3A_200, %dma_wait3A_204] : memref<4x64xi32, #tpu.memory_space<vmem>> -> memref<1x64xi32, #tpu.memory_space<vmem>>
    %dma_wait3A_206 = tpu.memref_squeeze %dma_wait3A_205 : memref<1x64xi32, #tpu.memory_space<vmem>> -> memref<64xi32, #tpu.memory_space<vmem>>
    %dma_wait3A_207 = arith.constant 0 : i32
    %dma_wait3A_208 = arith.constant 0 : i32
    %dma_wait3A_209 = tpu.memref_slice %arg3[%dma_wait3A_207, %dma_wait3A_208] : memref<100000x128xf32, #tpu.memory_space<hbm>> -> memref<100000x128xf32, #tpu.memory_space<hbm>>
    tpu.wait_indirect_dma semaphore(%arg11 : memref<!tpu.dma_semaphore, #tpu.memory_space<semaphore_mem>>) src(%dma_wait3A_209 : memref<100000x128xf32, #tpu.memory_space<hbm>>) dst(%dma_wait3A_203 : memref<64x128xf32, #tpu.memory_space<vmem>>)
    %scan3A_210 = arith.constant 0 : i32
    %scan3A_211 = arith.constant 64 : i32
    %scan3A_212 = arith.addi %scan3A_210, %scan3A_211 : i32
    %scan3A_213 = arith.constant 1 : i32
    scf.for %scan3A_308 = %scan3A_210 to %scan3A_212 step %scan3A_213  : i32 {
      %mul3A_309 = arith.constant 1 : i32
      %mul3A_310 = arith.muli %scan3A_308, %mul3A_309 : i32
      %add3A_311 = arith.constant 0 : i32
      %add3A_312 = arith.addi %add3A_311, %mul3A_310 : i32
      %add3A_313 = arith.constant 128 : i32
      %add3A_314 = arith.addi %add3A_313, %add3A_312 : i32
      %get3A = arith.index_cast %add3A_312 : i32 to index
      %get3A_315 = arith.constant 0 : index
      %get3A_316 = tpu.vector_load %arg7[%get3A, %get3A_315] {strides = array<i32>} : memref<64x128xf32, #tpu.memory_space<vmem>>, vector<1x16xf32>,
      %get3A_317 = vector.shape_cast %get3A_316 : vector<1x16xf32> to vector<16xf32>
      %swap3A = arith.index_cast %add3A_314 : i32 to index
      %swap3A_318 = arith.constant 0 : index
      %swap3A_319 = tpu.vector_load %arg8[%swap3A, %swap3A_318] {strides = array<i32>} : memref<256x128xf32, #tpu.memory_space<vmem>>, vector<1x16xf32>,
      %swap3A_320 = vector.shape_cast %swap3A_319 : vector<1x16xf32> to vector<16xf32>
      %swap3A_321 = vector.shape_cast %get3A_317 : vector<16xf32> to vector<1x16xf32>
      tpu.vector_store %arg8[%swap3A, %swap3A_318], %swap3A_321 {add = true, strides = array<i32>} : memref<256x128xf32, #tpu.memory_space<vmem>>, vector<1x16xf32>,
      %add3A_322 = arith.constant 128 : i32
      %add3A_323 = arith.addi %add3A_322, %add3A_312 : i32
      %get3A_324 = arith.index_cast %add3A_312 : i32 to index
      %get3A_325 = arith.constant 16 : index
      %get3A_326 = tpu.vector_load %arg7[%get3A_324, %get3A_325] {strides = array<i32>} : memref<64x128xf32, #tpu.memory_space<vmem>>, vector<1x16xf32>,
      %get3A_327 = vector.shape_cast %get3A_326 : vector<1x16xf32> to vector<16xf32>
      %swap3A_328 = arith.index_cast %add3A_323 : i32 to index
      %swap3A_329 = arith.constant 16 : index
      %swap3A_330 = tpu.vector_load %arg8[%swap3A_328, %swap3A_329] {strides = array<i32>} : memref<256x128xf32, #tpu.memory_space<vmem>>, vector<1x16xf32>,
      %swap3A_331 = vector.shape_cast %swap3A_330 : vector<1x16xf32> to vector<16xf32>
      %swap3A_332 = vector.shape_cast %get3A_327 : vector<16xf32> to vector<1x16xf32>
      tpu.vector_store %arg8[%swap3A_328, %swap3A_329], %swap3A_332 {add = true, strides = array<i32>} : memref<256x128xf32, #tpu.memory_space<vmem>>, vector<1x16xf32>,
      %add3A_333 = arith.constant 128 : i32
      %add3A_334 = arith.addi %add3A_333, %add3A_312 : i32
      %get3A_335 = arith.index_cast %add3A_312 : i32 to index
      %get3A_336 = arith.constant 32 : index
      %get3A_337 = tpu.vector_load %arg7[%get3A_335, %get3A_336] {strides = array<i32>} : memref<64x128xf32, #tpu.memory_space<vmem>>, vector<1x16xf32>,
      %get3A_338 = vector.shape_cast %get3A_337 : vector<1x16xf32> to vector<16xf32>
      %swap3A_339 = arith.index_cast %add3A_334 : i32 to index
      %swap3A_340 = arith.constant 32 : index
      %swap3A_341 = tpu.vector_load %arg8[%swap3A_339, %swap3A_340] {strides = array<i32>} : memref<256x128xf32, #tpu.memory_space<vmem>>, vector<1x16xf32>,
      %swap3A_342 = vector.shape_cast %swap3A_341 : vector<1x16xf32> to vector<16xf32>
      %swap3A_343 = vector.shape_cast %get3A_338 : vector<16xf32> to vector<1x16xf32>
      tpu.vector_store %arg8[%swap3A_339, %swap3A_340], %swap3A_343 {add = true, strides = array<i32>} : memref<256x128xf32, #tpu.memory_space<vmem>>, vector<1x16xf32>,
      %add3A_344 = arith.constant 128 : i32
      %add3A_345 = arith.addi %add3A_344, %add3A_312 : i32
      %get3A_346 = arith.index_cast %add3A_312 : i32 to index
      %get3A_347 = arith.constant 48 : index
      %get3A_348 = tpu.vector_load %arg7[%get3A_346, %get3A_347] {strides = array<i32>} : memref<64x128xf32, #tpu.memory_space<vmem>>, vector<1x16xf32>,
      %get3A_349 = vector.shape_cast %get3A_348 : vector<1x16xf32> to vector<16xf32>
      %swap3A_350 = arith.index_cast %add3A_345 : i32 to index
      %swap3A_351 = arith.constant 48 : index
      %swap3A_352 = tpu.vector_load %arg8[%swap3A_350, %swap3A_351] {strides = array<i32>} : memref<256x128xf32, #tpu.memory_space<vmem>>, vector<1x16xf32>,
      %swap3A_353 = vector.shape_cast %swap3A_352 : vector<1x16xf32> to vector<16xf32>
      %swap3A_354 = vector.shape_cast %get3A_349 : vector<16xf32> to vector<1x16xf32>
      tpu.vector_store %arg8[%swap3A_350, %swap3A_351], %swap3A_354 {add = true, strides = array<i32>} : memref<256x128xf32, #tpu.memory_space<vmem>>, vector<1x16xf32>,
      %add3A_355 = arith.constant 128 : i32
      %add3A_356 = arith.addi %add3A_355, %add3A_312 : i32
      %get3A_357 = arith.index_cast %add3A_312 : i32 to index
      %get3A_358 = arith.constant 64 : index
      %get3A_359 = tpu.vector_load %arg7[%get3A_357, %get3A_358] {strides = array<i32>} : memref<64x128xf32, #tpu.memory_space<vmem>>, vector<1x16xf32>,
      %get3A_360 = vector.shape_cast %get3A_359 : vector<1x16xf32> to vector<16xf32>
      %swap3A_361 = arith.index_cast %add3A_356 : i32 to index
      %swap3A_362 = arith.constant 64 : index
      %swap3A_363 = tpu.vector_load %arg8[%swap3A_361, %swap3A_362] {strides = array<i32>} : memref<256x128xf32, #tpu.memory_space<vmem>>, vector<1x16xf32>,
      %swap3A_364 = vector.shape_cast %swap3A_363 : vector<1x16xf32> to vector<16xf32>
      %swap3A_365 = vector.shape_cast %get3A_360 : vector<16xf32> to vector<1x16xf32>
      tpu.vector_store %arg8[%swap3A_361, %swap3A_362], %swap3A_365 {add = true, strides = array<i32>} : memref<256x128xf32, #tpu.memory_space<vmem>>, vector<1x16xf32>,
      %add3A_366 = arith.constant 128 : i32
      %add3A_367 = arith.addi %add3A_366, %add3A_312 : i32
      %get3A_368 = arith.index_cast %add3A_312 : i32 to index
      %get3A_369 = arith.constant 80 : index
      %get3A_370 = tpu.vector_load %arg7[%get3A_368, %get3A_369] {strides = array<i32>} : memref<64x128xf32, #tpu.memory_space<vmem>>, vector<1x16xf32>,
      %get3A_371 = vector.shape_cast %get3A_370 : vector<1x16xf32> to vector<16xf32>
      %swap3A_372 = arith.index_cast %add3A_367 : i32 to index
      %swap3A_373 = arith.constant 80 : index
      %swap3A_374 = tpu.vector_load %arg8[%swap3A_372, %swap3A_373] {strides = array<i32>} : memref<256x128xf32, #tpu.memory_space<vmem>>, vector<1x16xf32>,
      %swap3A_375 = vector.shape_cast %swap3A_374 : vector<1x16xf32> to vector<16xf32>
      %swap3A_376 = vector.shape_cast %get3A_371 : vector<16xf32> to vector<1x16xf32>
      tpu.vector_store %arg8[%swap3A_372, %swap3A_373], %swap3A_376 {add = true, strides = array<i32>} : memref<256x128xf32, #tpu.memory_space<vmem>>, vector<1x16xf32>,
      %add3A_377 = arith.constant 128 : i32
      %add3A_378 = arith.addi %add3A_377, %add3A_312 : i32
      %get3A_379 = arith.index_cast %add3A_312 : i32 to index
      %get3A_380 = arith.constant 96 : index
      %get3A_381 = tpu.vector_load %arg7[%get3A_379, %get3A_380] {strides = array<i32>} : memref<64x128xf32, #tpu.memory_space<vmem>>, vector<1x16xf32>,
      %get3A_382 = vector.shape_cast %get3A_381 : vector<1x16xf32> to vector<16xf32>
      %swap3A_383 = arith.index_cast %add3A_378 : i32 to index
      %swap3A_384 = arith.constant 96 : index
      %swap3A_385 = tpu.vector_load %arg8[%swap3A_383, %swap3A_384] {strides = array<i32>} : memref<256x128xf32, #tpu.memory_space<vmem>>, vector<1x16xf32>,
      %swap3A_386 = vector.shape_cast %swap3A_385 : vector<1x16xf32> to vector<16xf32>
      %swap3A_387 = vector.shape_cast %get3A_382 : vector<16xf32> to vector<1x16xf32>
      tpu.vector_store %arg8[%swap3A_383, %swap3A_384], %swap3A_387 {add = true, strides = array<i32>} : memref<256x128xf32, #tpu.memory_space<vmem>>, vector<1x16xf32>,
      %add3A_388 = arith.constant 128 : i32
      %add3A_389 = arith.addi %add3A_388, %add3A_312 : i32
      %get3A_390 = arith.index_cast %add3A_312 : i32 to index
      %get3A_391 = arith.constant 112 : index
      %get3A_392 = tpu.vector_load %arg7[%get3A_390, %get3A_391] {strides = array<i32>} : memref<64x128xf32, #tpu.memory_space<vmem>>, vector<1x16xf32>,
      %get3A_393 = vector.shape_cast %get3A_392 : vector<1x16xf32> to vector<16xf32>
      %swap3A_394 = arith.index_cast %add3A_389 : i32 to index
      %swap3A_395 = arith.constant 112 : index
      %swap3A_396 = tpu.vector_load %arg8[%swap3A_394, %swap3A_395] {strides = array<i32>} : memref<256x128xf32, #tpu.memory_space<vmem>>, vector<1x16xf32>,
      %swap3A_397 = vector.shape_cast %swap3A_396 : vector<1x16xf32> to vector<16xf32>
      %swap3A_398 = vector.shape_cast %get3A_393 : vector<16xf32> to vector<1x16xf32>
      tpu.vector_store %arg8[%swap3A_394, %swap3A_395], %swap3A_398 {add = true, strides = array<i32>} : memref<256x128xf32, #tpu.memory_space<vmem>>, vector<1x16xf32>,
    }
    %scan3A_214 = arith.constant 64 : i32
    %dma_start3A_215 = arith.constant 2 : i32
    %dma_start3A_216 = arith.constant 128 : i32
    %dma_start3A_217 = arith.constant 0 : i32
    %dma_start3A_218 = tpu.memref_slice %arg8[%dma_start3A_216, %dma_start3A_217] : memref<256x128xf32, #tpu.memory_space<vmem>> -> memref<64x128xf32, #tpu.memory_space<vmem>>
    %dma_start3A_219 = arith.constant 0 : i32
    %dma_start3A_220 = tpu.memref_slice %arg5[%dma_start3A_215, %mul3A_2, %dma_start3A_219] : memref<4x2048x128xf32, #tpu.memory_space<hbm>> -> memref<1x64x128xf32, #tpu.memory_space<hbm>>
    %dma_start3A_221 = tpu.memref_squeeze %dma_start3A_220 : memref<1x64x128xf32, #tpu.memory_space<hbm>> -> memref<64x128xf32, #tpu.memory_space<hbm>>
    %dma_start3A_222 = arith.constant 0 : i32
    %dma_start3A_223 = tpu.memref_slice %arg5[%dma_start3A_215, %mul3A_2, %dma_start3A_222] : memref<4x2048x128xf32, #tpu.memory_space<hbm>> -> memref<1x64x128xf32, #tpu.memory_space<hbm>>
    %dma_start3A_224 = tpu.memref_squeeze %dma_start3A_223 : memref<1x64x128xf32, #tpu.memory_space<hbm>> -> memref<64x128xf32, #tpu.memory_space<hbm>>
    %dma_start3A_225 = arith.constant 128 : i32
    %dma_start3A_226 = arith.constant 0 : i32
    %dma_start3A_227 = tpu.memref_slice %arg8[%dma_start3A_225, %dma_start3A_226] : memref<256x128xf32, #tpu.memory_space<vmem>> -> memref<64x128xf32, #tpu.memory_space<vmem>>
    tpu.enqueue_dma source(%dma_start3A_227 : memref<64x128xf32, #tpu.memory_space<vmem>>) target(%dma_start3A_224 : memref<64x128xf32, #tpu.memory_space<hbm>>) target_semaphore(%arg12 : memref<!tpu.dma_semaphore, #tpu.memory_space<semaphore_mem>>)
    %dma_wait3A_228 = arith.constant 3 : i32
    %dma_wait3A_229 = arith.constant 192 : i32
    %dma_wait3A_230 = arith.constant 0 : i32
    %dma_wait3A_231 = tpu.memref_slice %arg8[%dma_wait3A_229, %dma_wait3A_230] : memref<256x128xf32, #tpu.memory_space<vmem>> -> memref<64x128xf32, #tpu.memory_space<vmem>>
    %dma_wait3A_232 = arith.constant 0 : i32
    %dma_wait3A_233 = tpu.memref_slice %arg6[%dma_wait3A_228, %dma_wait3A_232] : memref<4x64xi32, #tpu.memory_space<vmem>> -> memref<1x64xi32, #tpu.memory_space<vmem>>
    %dma_wait3A_234 = tpu.memref_squeeze %dma_wait3A_233 : memref<1x64xi32, #tpu.memory_space<vmem>> -> memref<64xi32, #tpu.memory_space<vmem>>
    %dma_wait3A_235 = arith.constant 0 : i32
    %dma_wait3A_236 = arith.constant 0 : i32
    %dma_wait3A_237 = tpu.memref_slice %arg3[%dma_wait3A_235, %dma_wait3A_236] : memref<100000x128xf32, #tpu.memory_space<hbm>> -> memref<100000x128xf32, #tpu.memory_space<hbm>>
    tpu.wait_indirect_dma semaphore(%arg11 : memref<!tpu.dma_semaphore, #tpu.memory_space<semaphore_mem>>) src(%dma_wait3A_237 : memref<100000x128xf32, #tpu.memory_space<hbm>>) dst(%dma_wait3A_231 : memref<64x128xf32, #tpu.memory_space<vmem>>)
    %scan3A_238 = arith.constant 0 : i32
    %scan3A_239 = arith.constant 64 : i32
    %scan3A_240 = arith.addi %scan3A_238, %scan3A_239 : i32
    %scan3A_241 = arith.constant 1 : i32
    scf.for %scan3A_308 = %scan3A_238 to %scan3A_240 step %scan3A_241  : i32 {
      %mul3A_309 = arith.constant 1 : i32
      %mul3A_310 = arith.muli %scan3A_308, %mul3A_309 : i32
      %add3A_311 = arith.constant 0 : i32
      %add3A_312 = arith.addi %add3A_311, %mul3A_310 : i32
      %add3A_313 = arith.constant 192 : i32
      %add3A_314 = arith.addi %add3A_313, %add3A_312 : i32
      %get3A = arith.index_cast %add3A_312 : i32 to index
      %get3A_315 = arith.constant 0 : index
      %get3A_316 = tpu.vector_load %arg7[%get3A, %get3A_315] {strides = array<i32>} : memref<64x128xf32, #tpu.memory_space<vmem>>, vector<1x16xf32>,
      %get3A_317 = vector.shape_cast %get3A_316 : vector<1x16xf32> to vector<16xf32>
      %swap3A = arith.index_cast %add3A_314 : i32 to index
      %swap3A_318 = arith.constant 0 : index
      %swap3A_319 = tpu.vector_load %arg8[%swap3A, %swap3A_318] {strides = array<i32>} : memref<256x128xf32, #tpu.memory_space<vmem>>, vector<1x16xf32>,
      %swap3A_320 = vector.shape_cast %swap3A_319 : vector<1x16xf32> to vector<16xf32>
      %swap3A_321 = vector.shape_cast %get3A_317 : vector<16xf32> to vector<1x16xf32>
      tpu.vector_store %arg8[%swap3A, %swap3A_318], %swap3A_321 {add = true, strides = array<i32>} : memref<256x128xf32, #tpu.memory_space<vmem>>, vector<1x16xf32>,
      %add3A_322 = arith.constant 192 : i32
      %add3A_323 = arith.addi %add3A_322, %add3A_312 : i32
      %get3A_324 = arith.index_cast %add3A_312 : i32 to index
      %get3A_325 = arith.constant 16 : index
      %get3A_326 = tpu.vector_load %arg7[%get3A_324, %get3A_325] {strides = array<i32>} : memref<64x128xf32, #tpu.memory_space<vmem>>, vector<1x16xf32>,
      %get3A_327 = vector.shape_cast %get3A_326 : vector<1x16xf32> to vector<16xf32>
      %swap3A_328 = arith.index_cast %add3A_323 : i32 to index
      %swap3A_329 = arith.constant 16 : index
      %swap3A_330 = tpu.vector_load %arg8[%swap3A_328, %swap3A_329] {strides = array<i32>} : memref<256x128xf32, #tpu.memory_space<vmem>>, vector<1x16xf32>,
      %swap3A_331 = vector.shape_cast %swap3A_330 : vector<1x16xf32> to vector<16xf32>
      %swap3A_332 = vector.shape_cast %get3A_327 : vector<16xf32> to vector<1x16xf32>
      tpu.vector_store %arg8[%swap3A_328, %swap3A_329], %swap3A_332 {add = true, strides = array<i32>} : memref<256x128xf32, #tpu.memory_space<vmem>>, vector<1x16xf32>,
      %add3A_333 = arith.constant 192 : i32
      %add3A_334 = arith.addi %add3A_333, %add3A_312 : i32
      %get3A_335 = arith.index_cast %add3A_312 : i32 to index
      %get3A_336 = arith.constant 32 : index
      %get3A_337 = tpu.vector_load %arg7[%get3A_335, %get3A_336] {strides = array<i32>} : memref<64x128xf32, #tpu.memory_space<vmem>>, vector<1x16xf32>,
      %get3A_338 = vector.shape_cast %get3A_337 : vector<1x16xf32> to vector<16xf32>
      %swap3A_339 = arith.index_cast %add3A_334 : i32 to index
      %swap3A_340 = arith.constant 32 : index
      %swap3A_341 = tpu.vector_load %arg8[%swap3A_339, %swap3A_340] {strides = array<i32>} : memref<256x128xf32, #tpu.memory_space<vmem>>, vector<1x16xf32>,
      %swap3A_342 = vector.shape_cast %swap3A_341 : vector<1x16xf32> to vector<16xf32>
      %swap3A_343 = vector.shape_cast %get3A_338 : vector<16xf32> to vector<1x16xf32>
      tpu.vector_store %arg8[%swap3A_339, %swap3A_340], %swap3A_343 {add = true, strides = array<i32>} : memref<256x128xf32, #tpu.memory_space<vmem>>, vector<1x16xf32>,
      %add3A_344 = arith.constant 192 : i32
      %add3A_345 = arith.addi %add3A_344, %add3A_312 : i32
      %get3A_346 = arith.index_cast %add3A_312 : i32 to index
      %get3A_347 = arith.constant 48 : index
      %get3A_348 = tpu.vector_load %arg7[%get3A_346, %get3A_347] {strides = array<i32>} : memref<64x128xf32, #tpu.memory_space<vmem>>, vector<1x16xf32>,
      %get3A_349 = vector.shape_cast %get3A_348 : vector<1x16xf32> to vector<16xf32>
      %swap3A_350 = arith.index_cast %add3A_345 : i32 to index
      %swap3A_351 = arith.constant 48 : index
      %swap3A_352 = tpu.vector_load %arg8[%swap3A_350, %swap3A_351] {strides = array<i32>} : memref<256x128xf32, #tpu.memory_space<vmem>>, vector<1x16xf32>,
      %swap3A_353 = vector.shape_cast %swap3A_352 : vector<1x16xf32> to vector<16xf32>
      %swap3A_354 = vector.shape_cast %get3A_349 : vector<16xf32> to vector<1x16xf32>
      tpu.vector_store %arg8[%swap3A_350, %swap3A_351], %swap3A_354 {add = true, strides = array<i32>} : memref<256x128xf32, #tpu.memory_space<vmem>>, vector<1x16xf32>,
      %add3A_355 = arith.constant 192 : i32
      %add3A_356 = arith.addi %add3A_355, %add3A_312 : i32
      %get3A_357 = arith.index_cast %add3A_312 : i32 to index
      %get3A_358 = arith.constant 64 : index
      %get3A_359 = tpu.vector_load %arg7[%get3A_357, %get3A_358] {strides = array<i32>} : memref<64x128xf32, #tpu.memory_space<vmem>>, vector<1x16xf32>,
      %get3A_360 = vector.shape_cast %get3A_359 : vector<1x16xf32> to vector<16xf32>
      %swap3A_361 = arith.index_cast %add3A_356 : i32 to index
      %swap3A_362 = arith.constant 64 : index
      %swap3A_363 = tpu.vector_load %arg8[%swap3A_361, %swap3A_362] {strides = array<i32>} : memref<256x128xf32, #tpu.memory_space<vmem>>, vector<1x16xf32>,
      %swap3A_364 = vector.shape_cast %swap3A_363 : vector<1x16xf32> to vector<16xf32>
      %swap3A_365 = vector.shape_cast %get3A_360 : vector<16xf32> to vector<1x16xf32>
      tpu.vector_store %arg8[%swap3A_361, %swap3A_362], %swap3A_365 {add = true, strides = array<i32>} : memref<256x128xf32, #tpu.memory_space<vmem>>, vector<1x16xf32>,
      %add3A_366 = arith.constant 192 : i32
      %add3A_367 = arith.addi %add3A_366, %add3A_312 : i32
      %get3A_368 = arith.index_cast %add3A_312 : i32 to index
      %get3A_369 = arith.constant 80 : index
      %get3A_370 = tpu.vector_load %arg7[%get3A_368, %get3A_369] {strides = array<i32>} : memref<64x128xf32, #tpu.memory_space<vmem>>, vector<1x16xf32>,
      %get3A_371 = vector.shape_cast %get3A_370 : vector<1x16xf32> to vector<16xf32>
      %swap3A_372 = arith.index_cast %add3A_367 : i32 to index
      %swap3A_373 = arith.constant 80 : index
      %swap3A_374 = tpu.vector_load %arg8[%swap3A_372, %swap3A_373] {strides = array<i32>} : memref<256x128xf32, #tpu.memory_space<vmem>>, vector<1x16xf32>,
      %swap3A_375 = vector.shape_cast %swap3A_374 : vector<1x16xf32> to vector<16xf32>
      %swap3A_376 = vector.shape_cast %get3A_371 : vector<16xf32> to vector<1x16xf32>
      tpu.vector_store %arg8[%swap3A_372, %swap3A_373], %swap3A_376 {add = true, strides = array<i32>} : memref<256x128xf32, #tpu.memory_space<vmem>>, vector<1x16xf32>,
      %add3A_377 = arith.constant 192 : i32
      %add3A_378 = arith.addi %add3A_377, %add3A_312 : i32
      %get3A_379 = arith.index_cast %add3A_312 : i32 to index
      %get3A_380 = arith.constant 96 : index
      %get3A_381 = tpu.vector_load %arg7[%get3A_379, %get3A_380] {strides = array<i32>} : memref<64x128xf32, #tpu.memory_space<vmem>>, vector<1x16xf32>,
      %get3A_382 = vector.shape_cast %get3A_381 : vector<1x16xf32> to vector<16xf32>
      %swap3A_383 = arith.index_cast %add3A_378 : i32 to index
      %swap3A_384 = arith.constant 96 : index
      %swap3A_385 = tpu.vector_load %arg8[%swap3A_383, %swap3A_384] {strides = array<i32>} : memref<256x128xf32, #tpu.memory_space<vmem>>, vector<1x16xf32>,
      %swap3A_386 = vector.shape_cast %swap3A_385 : vector<1x16xf32> to vector<16xf32>
      %swap3A_387 = vector.shape_cast %get3A_382 : vector<16xf32> to vector<1x16xf32>
      tpu.vector_store %arg8[%swap3A_383, %swap3A_384], %swap3A_387 {add = true, strides = array<i32>} : memref<256x128xf32, #tpu.memory_space<vmem>>, vector<1x16xf32>,
      %add3A_388 = arith.constant 192 : i32
      %add3A_389 = arith.addi %add3A_388, %add3A_312 : i32
      %get3A_390 = arith.index_cast %add3A_312 : i32 to index
      %get3A_391 = arith.constant 112 : index
      %get3A_392 = tpu.vector_load %arg7[%get3A_390, %get3A_391] {strides = array<i32>} : memref<64x128xf32, #tpu.memory_space<vmem>>, vector<1x16xf32>,
      %get3A_393 = vector.shape_cast %get3A_392 : vector<1x16xf32> to vector<16xf32>
      %swap3A_394 = arith.index_cast %add3A_389 : i32 to index
      %swap3A_395 = arith.constant 112 : index
      %swap3A_396 = tpu.vector_load %arg8[%swap3A_394, %swap3A_395] {strides = array<i32>} : memref<256x128xf32, #tpu.memory_space<vmem>>, vector<1x16xf32>,
      %swap3A_397 = vector.shape_cast %swap3A_396 : vector<1x16xf32> to vector<16xf32>
      %swap3A_398 = vector.shape_cast %get3A_393 : vector<16xf32> to vector<1x16xf32>
      tpu.vector_store %arg8[%swap3A_394, %swap3A_395], %swap3A_398 {add = true, strides = array<i32>} : memref<256x128xf32, #tpu.memory_space<vmem>>, vector<1x16xf32>,
    }
    %scan3A_242 = arith.constant 64 : i32
    %dma_start3A_243 = arith.constant 3 : i32
    %dma_start3A_244 = arith.constant 192 : i32
    %dma_start3A_245 = arith.constant 0 : i32
    %dma_start3A_246 = tpu.memref_slice %arg8[%dma_start3A_244, %dma_start3A_245] : memref<256x128xf32, #tpu.memory_space<vmem>> -> memref<64x128xf32, #tpu.memory_space<vmem>>
    %dma_start3A_247 = arith.constant 0 : i32
    %dma_start3A_248 = tpu.memref_slice %arg5[%dma_start3A_243, %mul3A_2, %dma_start3A_247] : memref<4x2048x128xf32, #tpu.memory_space<hbm>> -> memref<1x64x128xf32, #tpu.memory_space<hbm>>
    %dma_start3A_249 = tpu.memref_squeeze %dma_start3A_248 : memref<1x64x128xf32, #tpu.memory_space<hbm>> -> memref<64x128xf32, #tpu.memory_space<hbm>>
    %dma_start3A_250 = arith.constant 0 : i32
    %dma_start3A_251 = tpu.memref_slice %arg5[%dma_start3A_243, %mul3A_2, %dma_start3A_250] : memref<4x2048x128xf32, #tpu.memory_space<hbm>> -> memref<1x64x128xf32, #tpu.memory_space<hbm>>
    %dma_start3A_252 = tpu.memref_squeeze %dma_start3A_251 : memref<1x64x128xf32, #tpu.memory_space<hbm>> -> memref<64x128xf32, #tpu.memory_space<hbm>>
    %dma_start3A_253 = arith.constant 192 : i32
    %dma_start3A_254 = arith.constant 0 : i32
    %dma_start3A_255 = tpu.memref_slice %arg8[%dma_start3A_253, %dma_start3A_254] : memref<256x128xf32, #tpu.memory_space<vmem>> -> memref<64x128xf32, #tpu.memory_space<vmem>>
    tpu.enqueue_dma source(%dma_start3A_255 : memref<64x128xf32, #tpu.memory_space<vmem>>) target(%dma_start3A_252 : memref<64x128xf32, #tpu.memory_space<hbm>>) target_semaphore(%arg12 : memref<!tpu.dma_semaphore, #tpu.memory_space<semaphore_mem>>)
    %dma_wait3A_256 = arith.constant 0 : i32
    %dma_wait3A_257 = arith.constant 0 : i32
    %dma_wait3A_258 = arith.constant 0 : i32
    %dma_wait3A_259 = tpu.memref_slice %arg8[%dma_wait3A_257, %dma_wait3A_258] : memref<256x128xf32, #tpu.memory_space<vmem>> -> memref<64x128xf32, #tpu.memory_space<vmem>>
    %dma_wait3A_260 = arith.constant 0 : i32
    %dma_wait3A_261 = tpu.memref_slice %arg5[%dma_wait3A_256, %mul3A_2, %dma_wait3A_260] : memref<4x2048x128xf32, #tpu.memory_space<hbm>> -> memref<1x64x128xf32, #tpu.memory_space<hbm>>
    %dma_wait3A_262 = tpu.memref_squeeze %dma_wait3A_261 : memref<1x64x128xf32, #tpu.memory_space<hbm>> -> memref<64x128xf32, #tpu.memory_space<hbm>>
    %dma_wait3A_263 = arith.constant 0 : i32
    %dma_wait3A_264 = tpu.memref_slice %arg5[%dma_wait3A_256, %mul3A_2, %dma_wait3A_263] : memref<4x2048x128xf32, #tpu.memory_space<hbm>> -> memref<1x64x128xf32, #tpu.memory_space<hbm>>
    %dma_wait3A_265 = tpu.memref_squeeze %dma_wait3A_264 : memref<1x64x128xf32, #tpu.memory_space<hbm>> -> memref<64x128xf32, #tpu.memory_space<hbm>>
    %dma_wait3A_266 = arith.constant 0 : i32
    %dma_wait3A_267 = arith.constant 0 : i32
    %dma_wait3A_268 = tpu.memref_slice %arg8[%dma_wait3A_266, %dma_wait3A_267] : memref<256x128xf32, #tpu.memory_space<vmem>> -> memref<64x128xf32, #tpu.memory_space<vmem>>
    tpu.wait_dma2 semaphore(%arg12 : memref<!tpu.dma_semaphore, #tpu.memory_space<semaphore_mem>>) src(%dma_wait3A_268 : memref<64x128xf32, #tpu.memory_space<vmem>>) dst(%dma_wait3A_265 : memref<64x128xf32, #tpu.memory_space<hbm>>)
    %dma_wait3A_269 = arith.constant 1 : i32
    %dma_wait3A_270 = arith.constant 64 : i32
    %dma_wait3A_271 = arith.constant 0 : i32
    %dma_wait3A_272 = tpu.memref_slice %arg8[%dma_wait3A_270, %dma_wait3A_271] : memref<256x128xf32, #tpu.memory_space<vmem>> -> memref<64x128xf32, #tpu.memory_space<vmem>>
    %dma_wait3A_273 = arith.constant 0 : i32
    %dma_wait3A_274 = tpu.memref_slice %arg5[%dma_wait3A_269, %mul3A_2, %dma_wait3A_273] : memref<4x2048x128xf32, #tpu.memory_space<hbm>> -> memref<1x64x128xf32, #tpu.memory_space<hbm>>
    %dma_wait3A_275 = tpu.memref_squeeze %dma_wait3A_274 : memref<1x64x128xf32, #tpu.memory_space<hbm>> -> memref<64x128xf32, #tpu.memory_space<hbm>>
    %dma_wait3A_276 = arith.constant 0 : i32
    %dma_wait3A_277 = tpu.memref_slice %arg5[%dma_wait3A_269, %mul3A_2, %dma_wait3A_276] : memref<4x2048x128xf32, #tpu.memory_space<hbm>> -> memref<1x64x128xf32, #tpu.memory_space<hbm>>
    %dma_wait3A_278 = tpu.memref_squeeze %dma_wait3A_277 : memref<1x64x128xf32, #tpu.memory_space<hbm>> -> memref<64x128xf32, #tpu.memory_space<hbm>>
    %dma_wait3A_279 = arith.constant 64 : i32
    %dma_wait3A_280 = arith.constant 0 : i32
    %dma_wait3A_281 = tpu.memref_slice %arg8[%dma_wait3A_279, %dma_wait3A_280] : memref<256x128xf32, #tpu.memory_space<vmem>> -> memref<64x128xf32, #tpu.memory_space<vmem>>
    tpu.wait_dma2 semaphore(%arg12 : memref<!tpu.dma_semaphore, #tpu.memory_space<semaphore_mem>>) src(%dma_wait3A_281 : memref<64x128xf32, #tpu.memory_space<vmem>>) dst(%dma_wait3A_278 : memref<64x128xf32, #tpu.memory_space<hbm>>)
    %dma_wait3A_282 = arith.constant 2 : i32
    %dma_wait3A_283 = arith.constant 128 : i32
    %dma_wait3A_284 = arith.constant 0 : i32
    %dma_wait3A_285 = tpu.memref_slice %arg8[%dma_wait3A_283, %dma_wait3A_284] : memref<256x128xf32, #tpu.memory_space<vmem>> -> memref<64x128xf32, #tpu.memory_space<vmem>>
    %dma_wait3A_286 = arith.constant 0 : i32
    %dma_wait3A_287 = tpu.memref_slice %arg5[%dma_wait3A_282, %mul3A_2, %dma_wait3A_286] : memref<4x2048x128xf32, #tpu.memory_space<hbm>> -> memref<1x64x128xf32, #tpu.memory_space<hbm>>
    %dma_wait3A_288 = tpu.memref_squeeze %dma_wait3A_287 : memref<1x64x128xf32, #tpu.memory_space<hbm>> -> memref<64x128xf32, #tpu.memory_space<hbm>>
    %dma_wait3A_289 = arith.constant 0 : i32
    %dma_wait3A_290 = tpu.memref_slice %arg5[%dma_wait3A_282, %mul3A_2, %dma_wait3A_289] : memref<4x2048x128xf32, #tpu.memory_space<hbm>> -> memref<1x64x128xf32, #tpu.memory_space<hbm>>
    %dma_wait3A_291 = tpu.memref_squeeze %dma_wait3A_290 : memref<1x64x128xf32, #tpu.memory_space<hbm>> -> memref<64x128xf32, #tpu.memory_space<hbm>>
    %dma_wait3A_292 = arith.constant 128 : i32
    %dma_wait3A_293 = arith.constant 0 : i32
    %dma_wait3A_294 = tpu.memref_slice %arg8[%dma_wait3A_292, %dma_wait3A_293] : memref<256x128xf32, #tpu.memory_space<vmem>> -> memref<64x128xf32, #tpu.memory_space<vmem>>
    tpu.wait_dma2 semaphore(%arg12 : memref<!tpu.dma_semaphore, #tpu.memory_space<semaphore_mem>>) src(%dma_wait3A_294 : memref<64x128xf32, #tpu.memory_space<vmem>>) dst(%dma_wait3A_291 : memref<64x128xf32, #tpu.memory_space<hbm>>)
    %dma_wait3A_295 = arith.constant 3 : i32
    %dma_wait3A_296 = arith.constant 192 : i32
    %dma_wait3A_297 = arith.constant 0 : i32
    %dma_wait3A_298 = tpu.memref_slice %arg8[%dma_wait3A_296, %dma_wait3A_297] : memref<256x128xf32, #tpu.memory_space<vmem>> -> memref<64x128xf32, #tpu.memory_space<vmem>>
    %dma_wait3A_299 = arith.constant 0 : i32
    %dma_wait3A_300 = tpu.memref_slice %arg5[%dma_wait3A_295, %mul3A_2, %dma_wait3A_299] : memref<4x2048x128xf32, #tpu.memory_space<hbm>> -> memref<1x64x128xf32, #tpu.memory_space<hbm>>
    %dma_wait3A_301 = tpu.memref_squeeze %dma_wait3A_300 : memref<1x64x128xf32, #tpu.memory_space<hbm>> -> memref<64x128xf32, #tpu.memory_space<hbm>>
    %dma_wait3A_302 = arith.constant 0 : i32
    %dma_wait3A_303 = tpu.memref_slice %arg5[%dma_wait3A_295, %mul3A_2, %dma_wait3A_302] : memref<4x2048x128xf32, #tpu.memory_space<hbm>> -> memref<1x64x128xf32, #tpu.memory_space<hbm>>
    %dma_wait3A_304 = tpu.memref_squeeze %dma_wait3A_303 : memref<1x64x128xf32, #tpu.memory_space<hbm>> -> memref<64x128xf32, #tpu.memory_space<hbm>>
    %dma_wait3A_305 = arith.constant 192 : i32
    %dma_wait3A_306 = arith.constant 0 : i32
    %dma_wait3A_307 = tpu.memref_slice %arg8[%dma_wait3A_305, %dma_wait3A_306] : memref<256x128xf32, #tpu.memory_space<vmem>> -> memref<64x128xf32, #tpu.memory_space<vmem>>
    tpu.wait_dma2 semaphore(%arg12 : memref<!tpu.dma_semaphore, #tpu.memory_space<semaphore_mem>>) src(%dma_wait3A_307 : memref<64x128xf32, #tpu.memory_space<vmem>>) dst(%dma_wait3A_304 : memref<64x128xf32, #tpu.memory_space<hbm>>)
    return
  }
}

</mosaic_0001>

<sc_bundles>
// kernel: _embed.3.cloned.1.call-start
scs
__scs_entry_jumppad:
0x0: {  	(pc) =	sbr.rel $0x88, $3  }
0x1: {  	(tag) =	ssettag $0x0;
	lr =	simm.s32 $0x1  }
0x2: {  	[smem:$0x3F9E] =	sst lr;
	_ =	strace $0xD0000000  }
0x3: {  	_ = 	snop  }
0x4: {  	_ = 	snop  }
0x5: {  	_ = 	snop  }
0x6: {  	_ = 	snop  }
0x7: {  	_ = 	snop  }
__scs_overlays_trampoline_lowered:
0x8: {  	[smem:$0x3FAD] =	sst s0  }
0x9: {  	[smem:$0x3FAE] =	sst s1  }
0xa: {  	[smem:$0x3FAF] =	sst s2  }
0xb: {  	[smem:$0x3FB0] =	sst s3  }
0xc: {  	[smem:$0x3FB1] =	sst s4  }
0xd: {  	[smem:$0x3FB2] =	sst s5  }
0xe: {  	[smem:$0x3FB3] =	sst s6  }
0xf: {  	[smem:$0x3FB4] =	sst s7  }
0x10: {  	[smem:$0x3FB5] =	sst s8  }
0x11: {  	[smem:$0x3FB6] =	sst s9;
	s0 =	simm.s32 @!p0 $0x0  }
0x12: {  	s1 =	sld [smem:$0x3F9C];
	s0 =	simm.s32 @p0 $0x1  }
0x13: {  	[smem:$0x3FB7] =	sst s0;
	s0 =	simm.s32 @!p1 $0x0  }
0x14: {  	s2 =	sld [smem:$0x3F9B];
	s0 =	simm.s32 @p1 $0x1  }
0x15: {  	[smem:$0x3FB8] =	sst s0;
	s0 =	simm.s32 @!p2 $0x0  }
0x16: {  	s3 =	sld [smem:$0x3FDB];
	s0 =	simm.s32 @p2 $0x1  }
0x17: {  	s4 =	simm.s32 $0x1BF5;
	[smem:$0x3FBA] =	sst s0  }
0x18: {  	s0 =	sld [smem:$0x3F9D];
	_ =	swait.ge [sflag:s4], $0x0  }
0x19: {  	s7 =	sld [smem:$0x3F9E]  }
0x1a: {  	s8 =	sadd.s32 $0xFFFFE003, lr  }
0x1b: {  	s9 =	sadd.s32 $0xFFFFFEF7, lr;
	s5 =	simm.s32 $0xFFFFFFFF;
	p2 =	slt.u32 s8, $0xFFFFF086  }
0x1c: {  	p1 =	slt.u32 s9, $0xF7A;
	s5 =	simm.s32 @!p2 $0x0  }
0x1d: {  	s5 =	simm.s32 @p1 $0x1;
	p0 =	seq.s32 s7, s2  }
0x1e: {  	s7 =	smul.u32 @!p0 $0xF7A, s2;
	p2 =	seq.s32 @!p0 s5, $0x0  }
0x1f: {  	s9 =	smul.u32 $0xF7A, s1;
	s8 =	simm.s32 @!p0 $0x1BF5;
	p2 =	por !p2, p0  }
0x20: {  	[sflag:s8] =	ssyncset.s32 @!p0 $0xFFFFF086;
	s6 =	sadd.s32 @!p0 s3, s7;
	s7 =	simm.s32 @!p0 $0x108  }
0x21: {  	s3 =	sadd.s32 s3, s9;
	s6 =	sadd.s32 @!p0 $0x88, s6;
	s7 =	simm.s32 @p2 $0x1082  }
0x22: {  	[simem:s7], [sflag:s8] =	dma.local @!p0 [hbm:s6], $0xF7A  }
0x23: {  	s9 =	sor.u32 $0xD0000000, s2;
	s6 =	simm.s32 $0x108;
	_ =	swait.ge @!p0 [sflag:s8], $0x0  }
0x24: {  	s3 =	sadd.s32 $0x88, s3;
	s6 =	simm.s32 @!p1 $0x1082;
	[sflag:s4] =	ssyncset.s32 $0xFFFFF086  }
0x25: {  	[simem:s6], [sflag:s4] =	dma.local [hbm:s3], $0xF7A  }
0x26: {  	[smem:$0x3F9E] =	sst s1;
	(tag) =	ssettag s2;
	_ =	strace s9  }
0x27: {  	s1 =	sld [smem:$0x3FAE]  }
0x28: {  	s2 =	sld [smem:$0x3FAF]  }
0x29: {  	s4 =	sld [smem:$0x3FB1]  }
0x2a: {  	p0 =	seq.s32 s5, $0x0;
	s5 =	sld [smem:$0x3FB2]  }
0x2b: {  	s6 =	sld [smem:$0x3FB3]  }
0x2c: {  	s7 =	sld [smem:$0x3FB4]  }
0x2d: {  	s3 =	simm.s32 $0x108;
	s8 =	sld [smem:$0x3FB5]  }
0x2e: {  	s3 =	simm.s32 @!p0 $0x1082;
	s9 =	sld [smem:$0x3FB6]  }
0x2f: {  	lr =	sadd.s32 s0, s3;
	s0 =	sld [smem:$0x3FAD]  }
0x30: {  	s3 =	sld [smem:$0x3FB0]  }
0x31: {  	[smem:$0x3FB9] =	sst s10  }
0x32: {  	s10 =	sld [smem:$0x3FB7];
	_ =	sdelay $0x3  }
0x33: {  	p0 =	seq.s32 s10, $0x1;
	s10 =	sld [smem:$0x3FB9];
	_ =	sdelay $0x3  }
0x34: {  	[smem:$0x3FB9] =	sst s10  }
0x35: {  	s10 =	sld [smem:$0x3FB8];
	_ =	sdelay $0x3  }
0x36: {  	p1 =	seq.s32 s10, $0x1;
	s10 =	sld [smem:$0x3FB9];
	_ =	sdelay $0x3  }
0x37: {  	[smem:$0x3FB9] =	sst s10  }
0x38: {  	s10 =	sld [smem:$0x3FBA]  }
0x39: {  	_ = 	snop;
	(pc) =	sbr.ind lr, $3  }
0x3a: {  	_ = 	snop  }
0x3b: {  	_ = 	snop  }
0x3c: {  	p2 =	seq.s32 s10, $0x1;
	s10 =	sld [smem:$0x3FB9]  }
0x3d: {  	_ =	shalt  }
0x3e: {  	_ =	shalt  }
0x3f: {  	_ =	shalt  }
0x40: {  	_ =	shalt  }
0x41: {  	_ =	shalt  }
0x42: {  	_ =	shalt  }
0x43: {  	_ =	shalt  }
0x44: {  	_ =	shalt  }
0x45: {  	_ =	shalt  }
0x46: {  	_ =	shalt  }
0x47: {  	_ =	shalt  }
0x48: {  	_ =	shalt  }
0x49: {  	_ =	shalt  }
0x4a: {  	_ =	shalt  }
0x4b: {  	_ =	shalt  }
0x4c: {  	_ =	shalt  }
0x4d: {  	_ =	shalt  }
0x4e: {  	_ =	shalt  }
0x4f: {  	_ =	shalt  }
0x50: {  	_ =	shalt  }
0x51: {  	_ =	shalt  }
0x52: {  	_ =	shalt  }
0x53: {  	_ =	shalt  }
0x54: {  	_ =	shalt  }
0x55: {  	_ =	shalt  }
0x56: {  	_ =	shalt  }
0x57: {  	_ =	shalt  }
0x58: {  	_ =	shalt  }
0x59: {  	_ =	shalt  }
0x5a: {  	_ =	shalt  }
0x5b: {  	_ =	shalt  }
0x5c: {  	_ =	shalt  }
0x5d: {  	_ =	shalt  }
0x5e: {  	_ =	shalt  }
0x5f: {  	_ =	shalt  }
0x60: {  	_ =	shalt  }
0x61: {  	_ =	shalt  }
0x62: {  	_ =	shalt  }
0x63: {  	_ =	shalt  }
0x64: {  	_ =	shalt  }
0x65: {  	_ =	shalt  }
0x66: {  	_ =	shalt  }
0x67: {  	_ =	shalt  }
0x68: {  	_ =	shalt  }
0x69: {  	_ =	shalt  }
0x6a: {  	_ =	shalt  }
0x6b: {  	_ =	shalt  }
0x6c: {  	_ =	shalt  }
0x6d: {  	_ =	shalt  }
0x6e: {  	_ =	shalt  }
0x6f: {  	_ =	shalt  }
0x70: {  	_ =	shalt  }
0x71: {  	_ =	shalt  }
0x72: {  	_ =	shalt  }
0x73: {  	_ =	shalt  }
0x74: {  	_ =	shalt  }
0x75: {  	_ =	shalt  }
0x76: {  	_ =	shalt  }
0x77: {  	_ =	shalt  }
0x78: {  	_ =	shalt  }
0x79: {  	_ =	shalt  }
0x7a: {  	_ =	shalt  }
0x7b: {  	_ =	shalt  }
0x7c: {  	_ =	shalt  }
0x7d: {  	_ =	shalt  }
0x7e: {  	_ =	shalt  }
0x7f: {  	_ =	shalt  }
0x80: {  	_ =	shalt  }
0x81: {  	_ =	shalt  }
0x82: {  	_ =	shalt  }
0x83: {  	_ =	shalt  }
0x84: {  	_ =	shalt  }
0x85: {  	_ =	shalt  }
0x86: {  	_ =	shalt  }
0x87: {  	_ =	shalt  }
.Lfunc_end0:
.L_simem_size_0:
called_computation_lowered:
.L_overlay_start_0:
0x88: {  	s2 =	sld [smem:$0x3FD9]  }
0x89: {  	s3 =	sld [smem:$0x3FFE];
	_ =	sdelay $0x1  }
0x8a: {  	s1 =	srdreg.scid  }
0x8b: {  	s0 =	sand.u32 $0x1, s1  }
0x8c: {  	s18 =	sshll.u32 s0, $0xA;
	s2 =	sadd.s32 s3, s2  }
0x8d: {  	s2 =	sadd.s32 s2, s18  }
0x8e: {  	[smem:$0x3FC5] =	sst s2  }
0x8f: {  	_ = 	snop  }
0x90: {  	s2 =	sld [smem:$0x3FC9]  }
0x91: {  	s19 =	sld [smem:$0x3FC8]  }
0x92: {  	s4 =	sld [smem:$0x3FC7]  }
0x93: {  	s5 =	sld [smem:$0x3FD0];
	(tm) =	ssettm $0x1  }
0x94: {  	s6 =	sld [smem:$0x3FFB];
	_ =	sdelay $0x3  }
0x95: {  	_ =	strace s6  }
0x96: {  	s6 =	sld [smem:$0x3FFC];
	_ =	sdelay $0x3  }
0x97: {  	_ =	strace s6  }
0x98: {  	s6 =	sld [smem:$0x3FFD];
	_ =	sdelay $0x3  }
0x99: {  	_ =	strace s6  }
0x9a: {  	_ =	strace $0x8FFFFFFF  }
0x9b: {  	s20 =	sld [smem:$0x3FDB];
	_ =	sdelay $0x1  }
0x9c: {  	s7 =	simm.s32 $_scs_section_size  }
0x9d: {  	s8 =	simm.s32 $_size__tile_overlayer_lowered;
	s9 =	simm.s32 $_tile_overlayer_lowered  }
0x9e: {  	s23 =	simm.s32 $0x1BFF;
	s22 =	sshll.u32 s9, $0x1;
	s6 =	sadd.s32 s7, s20  }
0x9f: {  	s10 =	simm.s32 $0x0;
	s21 =	sshll.u32 s8, $0x1;
	s8 =	sadd.s32 s22, s6  }
0xa0: {  	[timem:s10], [sflag:s23] =	dma.local [hbm:s8], s21  }
0xa1: {  	_ =	swait.ge [sflag:s23], s21  }
0xa2: {  	s7 =	ssub.s32 $0x0, s21;
	[sflag:s23] =	ssyncset.done $0x0  }
0xa3: {  	[sflag:s23] =	ssyncadd.s32 s7;
	_ =	sdelay $0x1  }
0xa4: {  	s24 =	simm.s32 $0x1B8B  }
0xa5: {  	_ =	swait.ge [sflag:s24], $0x1  }
0xa6: {  	[sflag:s24] =	ssyncset.done $0x0  }
0xa7: {  	s25 =	simm.s32 $0x1B8E;
	[sflag:s24] =	ssyncadd.s32 $0xFFFFFFFF  }
0xa8: {  	s26 =	simm.s32 $execute0_lowered;
	[smem:$0x3FD2] =	sst s25  }
0xa9: {  	s7 =	sshll.u32 s26, $0x1;
	_ =	strace $0x80000046;
	[dreg:$0x1] =	wrdreg $0xFFFFFFFF  }
0xaa: {  	s28 =	simm.s32 $_size_execute0_lowered;
	s6 =	sadd.s32 s6, s7;
	[dreg:$0x0] =	wrdreg $0x0  }
0xab: {  	s7 =	sshll.u32 s28, $0x1;
	[dreg:$0x2] =	wrdreg s6  }
0xac: {  	[dreg:$0x3] =	wrdreg s7  }
0xad: {  	[dreg:$0x4] =	wrdreg $0xC0  }
0xae: {  	_ =	task [dreg:s10], $0x5FFFF  }
0xaf: {  	[dreg:$0x1] =	wrdreg $0xFFFFFFFF  }
0xb0: {  	[dreg:$0x0] =	wrdreg $0x60  }
0xb1: {  	[dreg:$0x2] =	wrdreg s2  }
0xb2: {  	[dreg:$0x3] =	wrdreg s19  }
0xb3: {  	[dreg:$0x4] =	wrdreg s4  }
0xb4: {  	[dreg:$0x5] =	wrdreg s5  }
0xb5: {  	[dreg:$0x6] =	wrdreg $0x9  }
0xb6: {  	_ =	task.clear_ibuf [dreg:s10], $0x7FFFF;
	_ =	strace $0x90000046  }
0xb7: {  	s29 =	simm.s32 $0x9;
	_ =	strace $0x80000048  }
0xb8: {  	_ =	swait.ge [sflag:s29], $0x1  }
0xb9: {  	[sflag:s29] =	ssyncadd.s32 $0xFFFFFFFF  }
0xba: {  	_ =	strace $0x90000048  }
0xbb: {  	_ =	sfence  }
0xbc: {  	s30 =	sld [smem:$0x0];
	_ =	sdelay $0x2  }
0xbd: {  	s31 =	sshll.u32 s1, $0xD;
	s1 =	sshrl.u32 s1, $0x2  }
0xbe: {  	s3 =	sand.u32 $0x4000, s31;
	s1 =	sadd.s32 s1, s30  }
0xbf: {  	s0 =	sor.u32 s3, s0;
	s1 =	sshll.u32 s1, $0x11  }
0xc0: {  	s0 =	sor.u32 s1, s0  }
0xc1: {  	s0 =	sadd.s32 $0x8F2B, s0  }
0xc2: {  	[sflag:s0] =	ssyncadd.remote.s32 $0x1  }
0xc3: {  	_ =	sfence.sel $0xFFFF  }
0xc4: {  	[dreg:$0x0] =	wrdreg $0xFFFFFFFF;
	(pc) =	sbr.abs _section_cstart, $3  }
0xc5: {  	[dreg:$0x1] =	wrdreg $0xFFFFFFFF  }
0xc6: {  	_ =	task.clear_ibuf [dreg:s10], $0x2FFFF;
	_ =	strace $0x9FFFFFFF  }
0xc7: {  	(tm) =	ssettm $0x7FFFFFFF  }
tec
execute0_lowered:
.L_overlay_start_1:
0x0: {  	(tag) =	ssettag $0x1  }
0x1: {  	s7 =	rddreg [dreg:$0x0]  }
0x2: {  	s1 =	rddreg [dreg:$0x1]  }
0x3: {  	s2 =	srdreg.scid;
	s8 =	rddreg [dreg:$0x2]  }
0x4: {  	s0 =	stileid.u32;
	s9 =	rddreg [dreg:$0x3]  }
0x5: {  	s3 =	simm.s32 $0x0;
	s14 =	simm.s32 $0x80;
	s15 =	simm.s32 $0x100  }
0x6: {  	s16 =	simm.s32 $0x180;
	s17 =	simm.s32 $0x200;
	s18 =	simm.s32 $0x1  }
0x7: {  	s19 =	simm.s32 $0x40;
	s20 =	simm.s32 $0x2200;
	s21 =	simm.s32 $0x4200  }
0x8: {  	s22 =	simm.s32 $0x6200;
	s23 =	simm.s32 $0x8200;
	s24 =	simm.s32 $0x2  }
0x9: {  	s25 =	simm.s32 $0x3;
	s28 =	simm.s32 $0x0;
	s4 =	sand.u32 $0x1, s2  }
0xa: {  	s5 =	sshll.u32 s0, $0x6;
	[smem:$0x7FF] =	sst s3;
	s2 =	sshll.u32 s4, $0xA  }
0xb: {  	s12 =	ssub.s32 $0x2, s4;
	s10 =	sor.u32 s5, s2;
	s2 =	rddreg [dreg:$0x4]  }
0xc: {  	s5 =	sand.u32 $0x40, s5;
	_ =	strace $0x80000047;
	s29 =	sshrl.u32 s12, $0x1  }
0xd: {  	s6 =	sshll.u32 s10, $0x2;
	s13 =	ssub.s32 s12, s29;
	s10 =	sshll.u32 s10, $0x4  }
0xe: {  	s11 =	sand.u32 $0x1E00, s6;
	s8 =	sadd.s32 s8, s10;
	s9 =	sadd.s32 s9, s10  }
0xf: {  	s13 =	smax.u32 s13, $0x1;
	s11 =	sor.u32 s5, s11;
	s5 =	sor.u32 s5, s6  }
0x10: {  	s10 =	sadd.s32 $0x8000, s9;
	s26 =	sshrl.u32 s11, $0x3;
	s30 =	sshrl.u32 s5, $0x3  }
0x11: {  	s12 =	sadd.s32 $0x18000, s9;
	s4 =	sadd.s32 s7, s26;
	s31 =	sor.u32 $0x20, s30  }
0x12: {  	s11 =	sor.u32 $0x30, s30;
	s26 =	simm.s32 $0x4;
	s5 =	sadd.s32 $0x10, s4  }
0x13: {  	s6 =	sadd.s32 s7, s31;
	s7 =	sadd.s32 s7, s11;
	s11 =	sadd.s32 $0x10000, s9  }
.LBB2_1:
0x14: {  	[tilespmem:s3], [sflag:$0x1] =	stream.linear.gather [hbm4b:s4+s3], $0x40, $0x38;
	[tilespmem:$0xA200] =	vst v63  }
0x15: {  	_ = 	snop  }
0x16: {  	[tilespmem:s14], [sflag:$0x1] =	stream.linear.gather [hbm4b:s5+s3], $0x40, $0x38;
	[tilespmem:$0xA200] =	vst v63  }
0x17: {  	_ = 	snop  }
0x18: {  	[tilespmem:s15], [sflag:$0x1] =	stream.linear.gather [hbm4b:s6+s3], $0x40, $0x38;
	[tilespmem:$0xA200] =	vst v63  }
0x19: {  	_ = 	snop  }
0x1a: {  	[tilespmem:s16], [sflag:$0x1] =	stream.linear.gather [hbm4b:s7+s3], $0x40, $0x38;
	[tilespmem:$0xA200] =	vst v63  }
0x1b: {  	_ = 	snop  }
0x1c: {  	[tilespmem:s17], [sflag:$0x2] =	stream.linear.gather [hbm4b:s8+s3], $0x2000, $0x38;
	[tilespmem:$0xA200] =	vst v63  }
0x1d: {  	_ =	swait.ge [sflag:s18], $0x40  }
0x1e: {  	[sflag:s18] =	ssyncset.done $0x0  }
0x1f: {  	[sflag:s18] =	ssyncadd.s32 $0xFFFFFFC0  }
0x20: {  	[tilespmem:s20], [sflag:$0x3] =	stream.indirect.gather [hbm4b:s1+s19], $0x80, s3, s19, $0xb8;
	[tilespmem:$0xA200] =	vst v63  }
0x21: {  	_ =	swait.ge [sflag:s18], $0x40  }
0x22: {  	[sflag:s18] =	ssyncset.done $0x0  }
0x23: {  	[sflag:s18] =	ssyncadd.s32 $0xFFFFFFC0  }
0x24: {  	[tilespmem:s21], [sflag:$0x3] =	stream.indirect.gather [hbm4b:s1+s19], $0x80, s14, s19, $0xb8;
	[tilespmem:$0xA200] =	vst v63  }
0x25: {  	_ =	swait.ge [sflag:s18], $0x40  }
0x26: {  	[sflag:s18] =	ssyncset.done $0x0  }
0x27: {  	[sflag:s18] =	ssyncadd.s32 $0xFFFFFFC0  }
0x28: {  	[tilespmem:s22], [sflag:$0x3] =	stream.indirect.gather [hbm4b:s1+s19], $0x80, s15, s19, $0xb8;
	[tilespmem:$0xA200] =	vst v63  }
0x29: {  	_ =	swait.ge [sflag:s18], $0x40  }
0x2a: {  	[sflag:s18] =	ssyncset.done $0x0  }
0x2b: {  	[sflag:s18] =	ssyncadd.s32 $0xFFFFFFC0  }
0x2c: {  	[tilespmem:s23], [sflag:$0x3] =	stream.indirect.gather [hbm4b:s1+s19], $0x80, s16, s19, $0xb8;
	[tilespmem:$0xA200] =	vst v63  }
0x2d: {  	_ =	swait.ge [sflag:s24], $0x2000  }
0x2e: {  	[sflag:s24] =	ssyncset.done $0x0  }
0x2f: {  	[sflag:s24] =	ssyncadd.s32 $0xFFFFE000  }
0x30: {  	_ =	swait.ge [sflag:s25], $0x2000  }
0x31: {  	[sflag:s25] =	ssyncset.done $0x0  }
0x32: {  	s29 =	simm.s32 $0x0;
	s30 =	simm.s32 $0x200;
	[sflag:s25] =	ssyncadd.s32 $0xFFFFE000  }
.LBB2_2:
0x33: {  	p0 =	sne.s32 s30, $0x7E00;
	v0 =	vld [tilespmem:s29+$0x270]  }
0x34: {  	v1 =	vld [tilespmem:s29+$0x200]  }
0x35: {  	v2 =	vld [tilespmem:s29+$0x210]  }
0x36: {  	v3 =	vld [tilespmem:s29+$0x220]  }
0x37: {  	v4 =	vld [tilespmem:s29+$0x230]  }
0x38: {  	[tilespmem:s29+$0x2270] =	vst.add.f32.msk $0xffff, v0  }
0x39: {  	v0 =	vld [tilespmem:s29+$0x240]  }
0x3a: {  	v5 =	vld [tilespmem:s29+$0x250]  }
0x3b: {  	v6 =	vld [tilespmem:s29+$0x260]  }
0x3c: {  	[tilespmem:s29+$0x2200] =	vst.add.f32.msk $0xffff, v1  }
0x3d: {  	[tilespmem:s29+$0x2210] =	vst.add.f32.msk $0xffff, v2  }
.Ltmp0:
0x3e: {  	[tilespmem:s29+$0x2220] =	vst.add.f32.msk $0xffff, v3;
	(pc) =	sbr.rel @p0 .LBB2_2-.Ltmp0, $4  }
0x3f: {  	[tilespmem:s29+$0x2230] =	vst.add.f32.msk $0xffff, v4  }
0x40: {  	[tilespmem:s29+$0x2240] =	vst.add.f32.msk $0xffff, v0  }
0x41: {  	[tilespmem:s29+$0x2250] =	vst.add.f32.msk $0xffff, v5  }
0x42: {  	[tilespmem:s29+$0x2260] =	vst.add.f32.msk $0xffff, v6;
	s29 =	sshra.s32 s30, $0x2;
	s30 =	sadd.s32 $0x200, s30  }
0x43: {  	v0 =	vld [tilespmem:s29+$0x270]  }
0x44: {  	v1 =	vld [tilespmem:s29+$0x200]  }
0x45: {  	v2 =	vld [tilespmem:s29+$0x210]  }
0x46: {  	v3 =	vld [tilespmem:s29+$0x220]  }
0x47: {  	v4 =	vld [tilespmem:s29+$0x230]  }
0x48: {  	v63 =	vld [tilespmem:s29+$0x240]  }
0x49: {  	v5 =	vld [tilespmem:s29+$0x250]  }
0x4a: {  	v6 =	vld [tilespmem:s29+$0x260]  }
0x4b: {  	[tilespmem:s29+$0x2270] =	vst.add.f32.msk $0xffff, v0  }
0x4c: {  	[tilespmem:s29+$0x2200] =	vst.add.f32.msk $0xffff, v1  }
0x4d: {  	[tilespmem:s29+$0x2210] =	vst.add.f32.msk $0xffff, v2  }
0x4e: {  	[tilespmem:s29+$0x2220] =	vst.add.f32.msk $0xffff, v3  }
0x4f: {  	[tilespmem:s29+$0x2230] =	vst.add.f32.msk $0xffff, v4  }
0x50: {  	[tilespmem:s29+$0x2240] =	vst.add.f32.msk $0xffff, v63  }
0x51: {  	[tilespmem:s29+$0x2250] =	vst.add.f32.msk $0xffff, v5  }
0x52: {  	[tilespmem:s29+$0x2260] =	vst.add.f32.msk $0xffff, v6;
	s29 =	simm.s32 $0x0  }
0x53: {  	[hbm4b:s9+s29] =	stream.linear.scatter [tilespmem:s20], [sflag:$0x4], $0x2000, $0x38;
	[tilespmem:$0xA200] =	vst v63  }
0x54: {  	_ =	swait.ge [sflag:s25], $0x2000  }
0x55: {  	[sflag:s25] =	ssyncset.done $0x0  }
0x56: {  	s30 =	simm.s32 $0x200;
	s29 =	simm.s32 $0x0;
	[sflag:s25] =	ssyncadd.s32 $0xFFFFE000  }
.LBB2_4:
0x57: {  	p0 =	sne.s32 s30, $0x7E00;
	v0 =	vld [tilespmem:s29+$0x270]  }
0x58: {  	v1 =	vld [tilespmem:s29+$0x200]  }
0x59: {  	v2 =	vld [tilespmem:s29+$0x210]  }
0x5a: {  	v3 =	vld [tilespmem:s29+$0x220]  }
0x5b: {  	v4 =	vld [tilespmem:s29+$0x230]  }
0x5c: {  	[tilespmem:s29+$0x4270] =	vst.add.f32.msk $0xffff, v0  }
0x5d: {  	v0 =	vld [tilespmem:s29+$0x240]  }
0x5e: {  	v5 =	vld [tilespmem:s29+$0x250]  }
0x5f: {  	v6 =	vld [tilespmem:s29+$0x260]  }
0x60: {  	[tilespmem:s29+$0x4200] =	vst.add.f32.msk $0xffff, v1  }
0x61: {  	[tilespmem:s29+$0x4210] =	vst.add.f32.msk $0xffff, v2  }
.Ltmp1:
0x62: {  	[tilespmem:s29+$0x4220] =	vst.add.f32.msk $0xffff, v3;
	(pc) =	sbr.rel @p0 .LBB2_4-.Ltmp1, $4  }
0x63: {  	[tilespmem:s29+$0x4230] =	vst.add.f32.msk $0xffff, v4  }
0x64: {  	[tilespmem:s29+$0x4240] =	vst.add.f32.msk $0xffff, v0  }
0x65: {  	[tilespmem:s29+$0x4250] =	vst.add.f32.msk $0xffff, v5  }
0x66: {  	[tilespmem:s29+$0x4260] =	vst.add.f32.msk $0xffff, v6;
	s29 =	sshra.s32 s30, $0x2;
	s30 =	sadd.s32 $0x200, s30  }
0x67: {  	v0 =	vld [tilespmem:s29+$0x270]  }
0x68: {  	v1 =	vld [tilespmem:s29+$0x200]  }
0x69: {  	v2 =	vld [tilespmem:s29+$0x210]  }
0x6a: {  	v3 =	vld [tilespmem:s29+$0x220]  }
0x6b: {  	v4 =	vld [tilespmem:s29+$0x230]  }
0x6c: {  	v63 =	vld [tilespmem:s29+$0x240]  }
0x6d: {  	v5 =	vld [tilespmem:s29+$0x250]  }
0x6e: {  	v6 =	vld [tilespmem:s29+$0x260]  }
0x6f: {  	[tilespmem:s29+$0x4270] =	vst.add.f32.msk $0xffff, v0  }
0x70: {  	[tilespmem:s29+$0x4200] =	vst.add.f32.msk $0xffff, v1  }
0x71: {  	[tilespmem:s29+$0x4210] =	vst.add.f32.msk $0xffff, v2  }
0x72: {  	[tilespmem:s29+$0x4220] =	vst.add.f32.msk $0xffff, v3  }
0x73: {  	[tilespmem:s29+$0x4230] =	vst.add.f32.msk $0xffff, v4  }
0x74: {  	[tilespmem:s29+$0x4240] =	vst.add.f32.msk $0xffff, v63  }
0x75: {  	[tilespmem:s29+$0x4250] =	vst.add.f32.msk $0xffff, v5  }
0x76: {  	[tilespmem:s29+$0x4260] =	vst.add.f32.msk $0xffff, v6;
	s29 =	simm.s32 $0x0  }
0x77: {  	[hbm4b:s10+s29] =	stream.linear.scatter [tilespmem:s21], [sflag:$0x4], $0x2000, $0x38;
	[tilespmem:$0xA200] =	vst v63  }
0x78: {  	_ =	swait.ge [sflag:s25], $0x2000  }
0x79: {  	[sflag:s25] =	ssyncset.done $0x0  }
0x7a: {  	s30 =	simm.s32 $0x200;
	s29 =	simm.s32 $0x0;
	[sflag:s25] =	ssyncadd.s32 $0xFFFFE000  }
.LBB2_6:
0x7b: {  	p0 =	sne.s32 s30, $0x7E00;
	v0 =	vld [tilespmem:s29+$0x270]  }
0x7c: {  	v1 =	vld [tilespmem:s29+$0x200]  }
0x7d: {  	v2 =	vld [tilespmem:s29+$0x210]  }
0x7e: {  	v3 =	vld [tilespmem:s29+$0x220]  }
0x7f: {  	v4 =	vld [tilespmem:s29+$0x230]  }
0x80: {  	[tilespmem:s29+$0x6270] =	vst.add.f32.msk $0xffff, v0  }
0x81: {  	v0 =	vld [tilespmem:s29+$0x240]  }
0x82: {  	v5 =	vld [tilespmem:s29+$0x250]  }
0x83: {  	v6 =	vld [tilespmem:s29+$0x260]  }
0x84: {  	[tilespmem:s29+$0x6200] =	vst.add.f32.msk $0xffff, v1  }
0x85: {  	[tilespmem:s29+$0x6210] =	vst.add.f32.msk $0xffff, v2  }
.Ltmp2:
0x86: {  	[tilespmem:s29+$0x6220] =	vst.add.f32.msk $0xffff, v3;
	(pc) =	sbr.rel @p0 .LBB2_6-.Ltmp2, $4  }
0x87: {  	[tilespmem:s29+$0x6230] =	vst.add.f32.msk $0xffff, v4  }
0x88: {  	[tilespmem:s29+$0x6240] =	vst.add.f32.msk $0xffff, v0  }
0x89: {  	[tilespmem:s29+$0x6250] =	vst.add.f32.msk $0xffff, v5  }
0x8a: {  	[tilespmem:s29+$0x6260] =	vst.add.f32.msk $0xffff, v6;
	s29 =	sshra.s32 s30, $0x2;
	s30 =	sadd.s32 $0x200, s30  }
0x8b: {  	v0 =	vld [tilespmem:s29+$0x270]  }
0x8c: {  	v1 =	vld [tilespmem:s29+$0x200]  }
0x8d: {  	v2 =	vld [tilespmem:s29+$0x210]  }
0x8e: {  	v3 =	vld [tilespmem:s29+$0x220]  }
0x8f: {  	v4 =	vld [tilespmem:s29+$0x230]  }
0x90: {  	v63 =	vld [tilespmem:s29+$0x240]  }
0x91: {  	v5 =	vld [tilespmem:s29+$0x250]  }
0x92: {  	v6 =	vld [tilespmem:s29+$0x260]  }
0x93: {  	[tilespmem:s29+$0x6270] =	vst.add.f32.msk $0xffff, v0  }
0x94: {  	[tilespmem:s29+$0x6200] =	vst.add.f32.msk $0xffff, v1  }
0x95: {  	[tilespmem:s29+$0x6210] =	vst.add.f32.msk $0xffff, v2  }
0x96: {  	[tilespmem:s29+$0x6220] =	vst.add.f32.msk $0xffff, v3  }
0x97: {  	[tilespmem:s29+$0x6230] =	vst.add.f32.msk $0xffff, v4  }
0x98: {  	[tilespmem:s29+$0x6240] =	vst.add.f32.msk $0xffff, v63  }
0x99: {  	[tilespmem:s29+$0x6250] =	vst.add.f32.msk $0xffff, v5  }
0x9a: {  	[tilespmem:s29+$0x6260] =	vst.add.f32.msk $0xffff, v6;
	s29 =	simm.s32 $0x0  }
0x9b: {  	[hbm4b:s11+s29] =	stream.linear.scatter [tilespmem:s22], [sflag:$0x4], $0x2000, $0x38;
	[tilespmem:$0xA200] =	vst v63  }
0x9c: {  	_ =	swait.ge [sflag:s25], $0x2000  }
0x9d: {  	[sflag:s25] =	ssyncset.done $0x0  }
0x9e: {  	s30 =	simm.s32 $0x200;
	s29 =	simm.s32 $0x0;
	[sflag:s25] =	ssyncadd.s32 $0xFFFFE000  }
.LBB2_8:
0x9f: {  	p0 =	sne.s32 s30, $0x7E00;
	v0 =	vld [tilespmem:s29+$0x270]  }
0xa0: {  	v1 =	vld [tilespmem:s29+$0x200]  }
0xa1: {  	v2 =	vld [tilespmem:s29+$0x210]  }
0xa2: {  	v3 =	vld [tilespmem:s29+$0x220]  }
0xa3: {  	v4 =	vld [tilespmem:s29+$0x230]  }
0xa4: {  	[tilespmem:s29+$0x8270] =	vst.add.f32.msk $0xffff, v0  }
0xa5: {  	v0 =	vld [tilespmem:s29+$0x240]  }
0xa6: {  	v5 =	vld [tilespmem:s29+$0x250]  }
0xa7: {  	v6 =	vld [tilespmem:s29+$0x260]  }
0xa8: {  	[tilespmem:s29+$0x8200] =	vst.add.f32.msk $0xffff, v1  }
0xa9: {  	[tilespmem:s29+$0x8210] =	vst.add.f32.msk $0xffff, v2  }
.Ltmp3:
0xaa: {  	[tilespmem:s29+$0x8220] =	vst.add.f32.msk $0xffff, v3;
	(pc) =	sbr.rel @p0 .LBB2_8-.Ltmp3, $4  }
0xab: {  	[tilespmem:s29+$0x8230] =	vst.add.f32.msk $0xffff, v4  }
0xac: {  	[tilespmem:s29+$0x8240] =	vst.add.f32.msk $0xffff, v0  }
0xad: {  	[tilespmem:s29+$0x8250] =	vst.add.f32.msk $0xffff, v5  }
0xae: {  	[tilespmem:s29+$0x8260] =	vst.add.f32.msk $0xffff, v6;
	s29 =	sshra.s32 s30, $0x2;
	s30 =	sadd.s32 $0x200, s30  }
0xaf: {  	v0 =	vld [tilespmem:s29+$0x270]  }
0xb0: {  	v1 =	vld [tilespmem:s29+$0x200]  }
0xb1: {  	v2 =	vld [tilespmem:s29+$0x210]  }
0xb2: {  	v3 =	vld [tilespmem:s29+$0x220]  }
0xb3: {  	v4 =	vld [tilespmem:s29+$0x230]  }
0xb4: {  	v63 =	vld [tilespmem:s29+$0x240]  }
0xb5: {  	v5 =	vld [tilespmem:s29+$0x250]  }
0xb6: {  	v6 =	vld [tilespmem:s29+$0x260]  }
0xb7: {  	[tilespmem:s29+$0x8270] =	vst.add.f32.msk $0xffff, v0  }
0xb8: {  	[tilespmem:s29+$0x8200] =	vst.add.f32.msk $0xffff, v1  }
0xb9: {  	[tilespmem:s29+$0x8210] =	vst.add.f32.msk $0xffff, v2  }
0xba: {  	[tilespmem:s29+$0x8220] =	vst.add.f32.msk $0xffff, v3  }
0xbb: {  	[tilespmem:s29+$0x8230] =	vst.add.f32.msk $0xffff, v4  }
0xbc: {  	[tilespmem:s29+$0x8240] =	vst.add.f32.msk $0xffff, v63  }
0xbd: {  	[tilespmem:s29+$0x8250] =	vst.add.f32.msk $0xffff, v5  }
0xbe: {  	[tilespmem:s29+$0x8260] =	vst.add.f32.msk $0xffff, v6  }
0xbf: {  	[hbm4b:s12+s3] =	stream.linear.scatter [tilespmem:s23], [sflag:$0x4], $0x2000, $0x38;
	[tilespmem:$0xA200] =	vst v63  }
0xc0: {  	_ =	swait.ge [sflag:s26], $0x2000  }
0xc1: {  	[sflag:s26] =	ssyncset.done $0x0  }
0xc2: {  	[sflag:s26] =	ssyncadd.s32 $0xFFFFE000  }
0xc3: {  	_ =	swait.ge [sflag:s26], $0x2000  }
0xc4: {  	[sflag:s26] =	ssyncset.done $0x0  }
0xc5: {  	s28 =	sadd.s32 $0x1, s28;
	[sflag:s26] =	ssyncadd.s32 $0xFFFFE000  }
0xc6: {  	p0 =	sne.s32 s28, s13;
	_ =	swait.ge [sflag:s26], $0x2000  }
.Ltmp4:
0xc7: {  	[sflag:s26] =	ssyncset.done $0x0;
	(pc) =	sbr.rel @p0 .LBB2_1-.Ltmp4, $4  }
0xc8: {  	[sflag:s26] =	ssyncadd.s32 $0xFFFFE000  }
0xc9: {  	_ =	swait.ge [sflag:s26], $0x2000  }
0xca: {  	[sflag:s26] =	ssyncset.done $0x0  }
0xcb: {  	[sflag:s26] =	ssyncadd.s32 $0xFFFFE000  }
0xcc: {  	_ =	sfence.sel $0x180000  }
0xcd: {  	[bflag:$0x0] =	sbarrier.arrive $0xFFFF  }
0xce: {  	p0 =	sne.s32 s0, $0x0;
	_ =	strace $0x90000047  }
0xcf: {  	s0 =	sadd.s32 @!p0 $0x100000, s2;
	[bflag:$0x2] =	sbarrier.arrive $0xFFFF  }
0xd0: {  	[sflag:s0] =	ssyncadd.tile.s32 @!p0 $0x1;
	_ =	shalt  }
.Lfunc_end2:
_tile_overlayer_lowered:
.L_overlay_start_2:
0xd1: {  	(tag) =	ssettag $0x2  }
0xd2: {  	s0 =	rddreg [dreg:$0x0];
	s2 =	stileid.u32  }
0xd3: {  	s1 =	rddreg [dreg:$0x1];
	p0 =	sne.s32 s2, $0x0  }
0xd4: {  	s3 =	rddreg [dreg:$0x2];
	[bflag:$0x3] =	sbarrier.arrive $0xFFFF;
	s2 =	simm.s32 @!p0 $0x1C05  }
0xd5: {  	[timem:s3], [sflag:s2] =	dma.local @!p0 [hbm:s0], s1  }
0xd6: {  	s0 =	simm.s32 @!p0 $0x5  }
0xd7: {  	_ =	swait.ge @!p0 [sflag:s0], s1  }
0xd8: {  	s1 =	ssub.s32 @!p0 $0x0, s1;
	[sflag:s0] =	ssyncset.done @!p0 $0x0  }
0xd9: {  	[sflag:s0] =	ssyncadd.s32 @!p0 s1  }
0xda: {  	[bflag:$0x3] =	sbarrier.arrive $0xFFFF  }
0xdb: {  	_ =	shalt  }

</sc_bundles>
